<compile_context>
chip_gen: v7x
topology: tpu7x:2x2x1
jax: 0.10.2.dev20260603
libtpu: 0.0.44.dev20260713+nightly
codegen_flags: <defaults>
</compile_context>

<pallas_src>
import functools

import jax
import jax.numpy as jnp
from jax import lax
from jax.experimental import pallas as pl
from jax.experimental.pallas import tpu as pltpu
from jax.experimental.pallas import tpu_sc as plsc

N_FACTORS = 64
L = 16

_info = plsc.get_sparse_core_info()
NC, NS = _info.num_cores, _info.num_subcores
NW = NC * NS

_IDX_CHUNK = 128
_TC_BLK = 32768


def _project_both(tu, tm, wu, wm, bias11):
    f, nu = tu.shape
    _, nm = tm.shape
    gu = (nu + _TC_BLK - 1) // _TC_BLK
    gm = (nm + _TC_BLK - 1) // _TC_BLK

    def body(tu_ref, tm_ref, wu_ref, wm_ref, b_ref, pu_ref, pm_ref):
        i = pl.program_id(0)

        @pl.when(i < gu)
        def _():
            pu_ref[...] = jnp.sum(tu_ref[...] * wu_ref[...], axis=0)

        @pl.when(i >= gu)
        def _():
            pm_ref[...] = (jnp.sum(tm_ref[...] * wm_ref[...], axis=0)
                           + b_ref[0, 0])

    return pl.pallas_call(
        body,
        grid=(gu + gm,),
        compiler_params=pltpu.CompilerParams(
            vmem_limit_bytes=60 * 1024 * 1024),
        in_specs=[
            pl.BlockSpec((f, _TC_BLK),
                         lambda i: (0, jnp.minimum(i, gu - 1))),
            pl.BlockSpec((f, _TC_BLK),
                         lambda i: (0, jnp.clip(i - gu, 0, gm - 1))),
            pl.BlockSpec((f, 1), lambda i: (0, 0)),
            pl.BlockSpec((f, 1), lambda i: (0, 0)),
            pl.BlockSpec((1, 1), lambda i: (0, 0)),
        ],
        out_specs=[
            pl.BlockSpec((_TC_BLK,), lambda i: (jnp.minimum(i, gu - 1),)),
            pl.BlockSpec((_TC_BLK,), lambda i: (jnp.clip(i - gu, 0, gm - 1),)),
        ],
        out_shape=[
            jax.ShapeDtypeStruct((nu,), jnp.float32),
            jax.ShapeDtypeStruct((nm,), jnp.float32),
        ],
    )(tu, tm, wu, wm, bias11)


@functools.cache
def _sc_pick(B, nu, nm):
    b_per_w = B // NW
    n_chunks = b_per_w // _IDX_CHUNK
    mesh = plsc.VectorSubcoreMesh(core_axis_name="c", subcore_axis_name="s")

    @functools.partial(
        pl.kernel,
        mesh=mesh,
        compiler_params=pltpu.CompilerParams(
            needs_layout_passes=False, use_tc_tiling_on_sc=False),
        out_type=jax.ShapeDtypeStruct((B,), jnp.float32),
        scratch_types=[
            pltpu.VMEM((b_per_w,), jnp.int32),
            pltpu.VMEM((b_per_w,), jnp.int32),
            pltpu.VMEM((b_per_w,), jnp.int32),
            pltpu.VMEM((b_per_w,), jnp.int32),
            pltpu.VMEM((b_per_w, L), jnp.float32),
            pltpu.VMEM((b_per_w, L), jnp.float32),
            pltpu.VMEM((b_per_w,), jnp.float32),
            pltpu.SemaphoreType.DMA,
        ],
    )
    def k(uidx_hbm, midx_hbm, pu_hbm, pm_hbm, out_hbm,
          uid_v, mid_v, uhi_v, mhi_v, ubuf, mbuf, out_v, sem):
        wid = lax.axis_index("s") * NC + lax.axis_index("c")
        base = wid * b_per_w
        pltpu.sync_copy(uidx_hbm.at[pl.ds(base, b_per_w)], uid_v)
        pltpu.sync_copy(midx_hbm.at[pl.ds(base, b_per_w)], mid_v)
        for c in range(b_per_w // L):
            sl = pl.ds(c * L, L)
            uhi_v[sl] = lax.shift_right_logical(uid_v[sl], 4)
            mhi_v[sl] = lax.shift_right_logical(mid_v[sl], 4)
        copies = []
        for c in range(n_chunks):
            sl = pl.ds(c * _IDX_CHUNK, _IDX_CHUNK)
            copies.append(
                pltpu.async_copy(pu_hbm.at[uhi_v.at[sl]], ubuf.at[sl], sem))
            copies.append(
                pltpu.async_copy(pm_hbm.at[mhi_v.at[sl]], mbuf.at[sl], sem))
        for cp in copies:
            cp.wait()
        lanes = lax.iota(jnp.int32, L)
        for g in range(b_per_w // L):
            sl = pl.ds(g * L, L)
            rowv = lanes + (g * L)
            ulo = lax.bitwise_and(uid_v[sl], L - 1)
            mlo = lax.bitwise_and(mid_v[sl], L - 1)
            pu = plsc.load_gather(ubuf, [rowv, ulo])
            pm = plsc.load_gather(mbuf, [rowv, mlo])
            out_v[sl] = pu + pm
        pltpu.sync_copy(out_v, out_hbm.at[pl.ds(base, b_per_w)])

    return k


def kernel(user, movie, user_table, movie_table, W, b):
    B = user.shape[0]
    tu = user_table.T
    tm = movie_table.T
    wu = W[0, :N_FACTORS].reshape(N_FACTORS, 1)
    wm = W[0, N_FACTORS:].reshape(N_FACTORS, 1)
    pu, pm = _project_both(tu, tm, wu, wm, b.reshape(1, 1))
    p2u = pu.reshape(-1, L)
    p2m = pm.reshape(-1, L)
    out = _sc_pick(B, p2u.shape[0], p2m.shape[0])(
        user.astype(jnp.int32), movie.astype(jnp.int32), p2u, p2m)
    return out.reshape(B, 1)

# --- scband reference (transcript-rebuilt; emitter-appended) ---
"""Pipeline reference for scband-net-1211180777957 (READ-ONLY COPY).

The authoritative reference and input builder live on the scoring server;
editing this copy changes nothing except your own understanding.
"""

import jax, jax.numpy as jnp
import numpy as np

N_USERS = 1000000
N_MOVIES = 100000
N_FACTORS = 64
BATCH = 16384

def setup_inputs(seed: int = 0) -> dict:
    key = jax.random.key(seed)
    k1, k2, k3, k4, k5, k6 = jax.random.split(key, 6)
    user = jax.random.randint(k1, (BATCH,), 0, N_USERS, dtype=jnp.int64 if jax.config.jax_enable_x64 else jnp.int32)
    movie = jax.random.randint(k2, (BATCH,), 0, N_MOVIES, dtype=jnp.int64 if jax.config.jax_enable_x64 else jnp.int32)
    user_table = jax.random.normal(k3, (N_USERS, N_FACTORS), dtype=jnp.float32)
    movie_table = jax.random.normal(k4, (N_MOVIES, N_FACTORS), dtype=jnp.float32)
    # nn.Linear(n_factors*2, 1): weight [1, 128], bias [1]
    bound = 1.0 / np.sqrt(N_FACTORS * 2)
    W = jax.random.uniform(k5, (1, N_FACTORS * 2), minval=-bound, maxval=bound, dtype=jnp.float32)
    b = jax.random.uniform(k6, (1,), minval=-bound, maxval=bound, dtype=jnp.float32)
    return {"user": user, "movie": movie, "user_table": user_table, "movie_table": movie_table, "W": W, "b": b}

def reference(user, movie, user_table, movie_table, W, b):
    user_embedding = jnp.take(user_table, user, axis=0)   # [B, F]
    movie_embedding = jnp.take(movie_table, movie, axis=0)  # [B, F]
    x = jnp.concatenate([user_embedding, movie_embedding], axis=1)  # [B, 2F]
    x = x @ W.T + b  # [B, 1]
    return x

if __name__ == "__main__":
    import jax
    _d = setup_inputs()
    print(jax.jit(kernel)(*tuple(_d.values())))

</pallas_src>

<mosaic_0001>
#map = affine_map<(d0, d1) -> (0)>
#map1 = affine_map<(d0, d1) -> (0, 0)>
module attributes {stable_mosaic.version = 14 : i64} {
  func.func @k(%arg0: i32, %arg1: i32, %arg2: memref<16384xi32, #tpu.memory_space<hbm>>, %arg3: memref<16384xi32, #tpu.memory_space<hbm>>, %arg4: memref<62500x16xf32, #tpu.memory_space<hbm>>, %arg5: memref<6250x16xf32, #tpu.memory_space<hbm>>, %arg6: memref<16384xf32, #tpu.memory_space<hbm>>, %arg7: memref<512xi32, #tpu.memory_space<vmem>>, %arg8: memref<512xi32, #tpu.memory_space<vmem>>, %arg9: memref<512xi32, #tpu.memory_space<vmem>>, %arg10: memref<512xi32, #tpu.memory_space<vmem>>, %arg11: memref<512x16xf32, #tpu.memory_space<vmem>>, %arg12: memref<512x16xf32, #tpu.memory_space<vmem>>, %arg13: memref<512xf32, #tpu.memory_space<vmem>>, %arg14: memref<!tpu.dma_semaphore, #tpu.memory_space<semaphore_mem>>) attributes {dimension_semantics = [#tpu.dimension_semantics<core_parallel>, #tpu.dimension_semantics<subcore_parallel>], iteration_bounds = array<i64: 2, 16>, scalar_prefetch = 0 : i64, scratch_operands = 8 : i64, tpu.core_type = #tpu.core_type<sc_vector_subcore>, window_params = [{transform_indices = #map}, {transform_indices = #map}, {transform_indices = #map1}, {transform_indices = #map1}, {transform_indices = #map}]} {
    %mul3A = arith.constant 2 : i32
    %mul3A_0 = arith.muli %arg1, %mul3A : i32
    %add3A = arith.addi %mul3A_0, %arg0 : i32
    %mul3A_1 = arith.constant 512 : i32
    %mul3A_2 = arith.muli %add3A, %mul3A_1 : i32
    "tpu.region"() ({
      %run_scoped3A = tpu.sem_alloc : memref<!tpu.dma_semaphore, #tpu.memory_space<semaphore_mem>>
      %dma_start3A_1148 = tpu.memref_slice %arg2[%mul3A_2] : memref<16384xi32, #tpu.memory_space<hbm>> -> memref<512xi32, #tpu.memory_space<hbm>>
      %dma_start3A_1149 = tpu.memref_slice %arg2[%mul3A_2] : memref<16384xi32, #tpu.memory_space<hbm>> -> memref<512xi32, #tpu.memory_space<hbm>>
      tpu.enqueue_dma source(%dma_start3A_1149 : memref<512xi32, #tpu.memory_space<hbm>>) target(%arg7 : memref<512xi32, #tpu.memory_space<vmem>>) target_semaphore(%run_scoped3A : memref<!tpu.dma_semaphore, #tpu.memory_space<semaphore_mem>>)
      %dma_wait3A_1150 = tpu.memref_slice %arg2[%mul3A_2] : memref<16384xi32, #tpu.memory_space<hbm>> -> memref<512xi32, #tpu.memory_space<hbm>>
      %dma_wait3A_1151 = tpu.memref_slice %arg2[%mul3A_2] : memref<16384xi32, #tpu.memory_space<hbm>> -> memref<512xi32, #tpu.memory_space<hbm>>
      tpu.wait_dma2 semaphore(%run_scoped3A : memref<!tpu.dma_semaphore, #tpu.memory_space<semaphore_mem>>) src(%dma_wait3A_1151 : memref<512xi32, #tpu.memory_space<hbm>>) dst(%arg7 : memref<512xi32, #tpu.memory_space<vmem>>)
      tpu.yield
    }) : () -> ()
    "tpu.region"() ({
      %run_scoped3A = tpu.sem_alloc : memref<!tpu.dma_semaphore, #tpu.memory_space<semaphore_mem>>
      %dma_start3A_1148 = tpu.memref_slice %arg3[%mul3A_2] : memref<16384xi32, #tpu.memory_space<hbm>> -> memref<512xi32, #tpu.memory_space<hbm>>
      %dma_start3A_1149 = tpu.memref_slice %arg3[%mul3A_2] : memref<16384xi32, #tpu.memory_space<hbm>> -> memref<512xi32, #tpu.memory_space<hbm>>
      tpu.enqueue_dma source(%dma_start3A_1149 : memref<512xi32, #tpu.memory_space<hbm>>) target(%arg8 : memref<512xi32, #tpu.memory_space<vmem>>) target_semaphore(%run_scoped3A : memref<!tpu.dma_semaphore, #tpu.memory_space<semaphore_mem>>)
      %dma_wait3A_1150 = tpu.memref_slice %arg3[%mul3A_2] : memref<16384xi32, #tpu.memory_space<hbm>> -> memref<512xi32, #tpu.memory_space<hbm>>
      %dma_wait3A_1151 = tpu.memref_slice %arg3[%mul3A_2] : memref<16384xi32, #tpu.memory_space<hbm>> -> memref<512xi32, #tpu.memory_space<hbm>>
      tpu.wait_dma2 semaphore(%run_scoped3A : memref<!tpu.dma_semaphore, #tpu.memory_space<semaphore_mem>>) src(%dma_wait3A_1151 : memref<512xi32, #tpu.memory_space<hbm>>) dst(%arg8 : memref<512xi32, #tpu.memory_space<vmem>>)
      tpu.yield
    }) : () -> ()
    %get3A = arith.constant 0 : index
    %get3A_3 = tpu.vector_load %arg7[%get3A] {strides = array<i32>} : memref<512xi32, #tpu.memory_space<vmem>>, vector<16xi32>,
    %shift_right_logical3A = arith.constant 4 : i32
    %shift_right_logical3A_4 = vector.broadcast %shift_right_logical3A : i32 to vector<16xi32>
    %shift_right_logical3A_5 = arith.shrui %get3A_3, %shift_right_logical3A_4 : vector<16xi32>
    %swap3A = arith.constant 0 : index
    %swap3A_6 = tpu.vector_load %arg9[%swap3A] {strides = array<i32>} : memref<512xi32, #tpu.memory_space<vmem>>, vector<16xi32>,
    tpu.vector_store %arg9[%swap3A], %shift_right_logical3A_5 {strides = array<i32>} : memref<512xi32, #tpu.memory_space<vmem>>, vector<16xi32>,
    %get3A_7 = arith.constant 0 : index
    %get3A_8 = tpu.vector_load %arg8[%get3A_7] {strides = array<i32>} : memref<512xi32, #tpu.memory_space<vmem>>, vector<16xi32>,
    %shift_right_logical3A_9 = arith.constant 4 : i32
    %shift_right_logical3A_10 = vector.broadcast %shift_right_logical3A_9 : i32 to vector<16xi32>
    %shift_right_logical3A_11 = arith.shrui %get3A_8, %shift_right_logical3A_10 : vector<16xi32>
    %swap3A_12 = arith.constant 0 : index
    %swap3A_13 = tpu.vector_load %arg10[%swap3A_12] {strides = array<i32>} : memref<512xi32, #tpu.memory_space<vmem>>, vector<16xi32>,
    tpu.vector_store %arg10[%swap3A_12], %shift_right_logical3A_11 {strides = array<i32>} : memref<512xi32, #tpu.memory_space<vmem>>, vector<16xi32>,
    %get3A_14 = arith.constant 16 : index
    %get3A_15 = tpu.vector_load %arg7[%get3A_14] {strides = array<i32>} : memref<512xi32, #tpu.memory_space<vmem>>, vector<16xi32>,
    %shift_right_logical3A_16 = arith.constant 4 : i32
    %shift_right_logical3A_17 = vector.broadcast %shift_right_logical3A_16 : i32 to vector<16xi32>
    %shift_right_logical3A_18 = arith.shrui %get3A_15, %shift_right_logical3A_17 : vector<16xi32>
    %swap3A_19 = arith.constant 16 : index
    %swap3A_20 = tpu.vector_load %arg9[%swap3A_19] {strides = array<i32>} : memref<512xi32, #tpu.memory_space<vmem>>, vector<16xi32>,
    tpu.vector_store %arg9[%swap3A_19], %shift_right_logical3A_18 {strides = array<i32>} : memref<512xi32, #tpu.memory_space<vmem>>, vector<16xi32>,
    %get3A_21 = arith.constant 16 : index
    %get3A_22 = tpu.vector_load %arg8[%get3A_21] {strides = array<i32>} : memref<512xi32, #tpu.memory_space<vmem>>, vector<16xi32>,
    %shift_right_logical3A_23 = arith.constant 4 : i32
    %shift_right_logical3A_24 = vector.broadcast %shift_right_logical3A_23 : i32 to vector<16xi32>
    %shift_right_logical3A_25 = arith.shrui %get3A_22, %shift_right_logical3A_24 : vector<16xi32>
    %swap3A_26 = arith.constant 16 : index
    %swap3A_27 = tpu.vector_load %arg10[%swap3A_26] {strides = array<i32>} : memref<512xi32, #tpu.memory_space<vmem>>, vector<16xi32>,
    tpu.vector_store %arg10[%swap3A_26], %shift_right_logical3A_25 {strides = array<i32>} : memref<512xi32, #tpu.memory_space<vmem>>, vector<16xi32>,
    %get3A_28 = arith.constant 32 : index
    %get3A_29 = tpu.vector_load %arg7[%get3A_28] {strides = array<i32>} : memref<512xi32, #tpu.memory_space<vmem>>, vector<16xi32>,
    %shift_right_logical3A_30 = arith.constant 4 : i32
    %shift_right_logical3A_31 = vector.broadcast %shift_right_logical3A_30 : i32 to vector<16xi32>
    %shift_right_logical3A_32 = arith.shrui %get3A_29, %shift_right_logical3A_31 : vector<16xi32>
    %swap3A_33 = arith.constant 32 : index
    %swap3A_34 = tpu.vector_load %arg9[%swap3A_33] {strides = array<i32>} : memref<512xi32, #tpu.memory_space<vmem>>, vector<16xi32>,
    tpu.vector_store %arg9[%swap3A_33], %shift_right_logical3A_32 {strides = array<i32>} : memref<512xi32, #tpu.memory_space<vmem>>, vector<16xi32>,
    %get3A_35 = arith.constant 32 : index
    %get3A_36 = tpu.vector_load %arg8[%get3A_35] {strides = array<i32>} : memref<512xi32, #tpu.memory_space<vmem>>, vector<16xi32>,
    %shift_right_logical3A_37 = arith.constant 4 : i32
    %shift_right_logical3A_38 = vector.broadcast %shift_right_logical3A_37 : i32 to vector<16xi32>
    %shift_right_logical3A_39 = arith.shrui %get3A_36, %shift_right_logical3A_38 : vector<16xi32>
    %swap3A_40 = arith.constant 32 : index
    %swap3A_41 = tpu.vector_load %arg10[%swap3A_40] {strides = array<i32>} : memref<512xi32, #tpu.memory_space<vmem>>, vector<16xi32>,
    tpu.vector_store %arg10[%swap3A_40], %shift_right_logical3A_39 {strides = array<i32>} : memref<512xi32, #tpu.memory_space<vmem>>, vector<16xi32>,
    %get3A_42 = arith.constant 48 : index
    %get3A_43 = tpu.vector_load %arg7[%get3A_42] {strides = array<i32>} : memref<512xi32, #tpu.memory_space<vmem>>, vector<16xi32>,
    %shift_right_logical3A_44 = arith.constant 4 : i32
    %shift_right_logical3A_45 = vector.broadcast %shift_right_logical3A_44 : i32 to vector<16xi32>
    %shift_right_logical3A_46 = arith.shrui %get3A_43, %shift_right_logical3A_45 : vector<16xi32>
    %swap3A_47 = arith.constant 48 : index
    %swap3A_48 = tpu.vector_load %arg9[%swap3A_47] {strides = array<i32>} : memref<512xi32, #tpu.memory_space<vmem>>, vector<16xi32>,
    tpu.vector_store %arg9[%swap3A_47], %shift_right_logical3A_46 {strides = array<i32>} : memref<512xi32, #tpu.memory_space<vmem>>, vector<16xi32>,
    %get3A_49 = arith.constant 48 : index
    %get3A_50 = tpu.vector_load %arg8[%get3A_49] {strides = array<i32>} : memref<512xi32, #tpu.memory_space<vmem>>, vector<16xi32>,
    %shift_right_logical3A_51 = arith.constant 4 : i32
    %shift_right_logical3A_52 = vector.broadcast %shift_right_logical3A_51 : i32 to vector<16xi32>
    %shift_right_logical3A_53 = arith.shrui %get3A_50, %shift_right_logical3A_52 : vector<16xi32>
    %swap3A_54 = arith.constant 48 : index
    %swap3A_55 = tpu.vector_load %arg10[%swap3A_54] {strides = array<i32>} : memref<512xi32, #tpu.memory_space<vmem>>, vector<16xi32>,
    tpu.vector_store %arg10[%swap3A_54], %shift_right_logical3A_53 {strides = array<i32>} : memref<512xi32, #tpu.memory_space<vmem>>, vector<16xi32>,
    %get3A_56 = arith.constant 64 : index
    %get3A_57 = tpu.vector_load %arg7[%get3A_56] {strides = array<i32>} : memref<512xi32, #tpu.memory_space<vmem>>, vector<16xi32>,
    %shift_right_logical3A_58 = arith.constant 4 : i32
    %shift_right_logical3A_59 = vector.broadcast %shift_right_logical3A_58 : i32 to vector<16xi32>
    %shift_right_logical3A_60 = arith.shrui %get3A_57, %shift_right_logical3A_59 : vector<16xi32>
    %swap3A_61 = arith.constant 64 : index
    %swap3A_62 = tpu.vector_load %arg9[%swap3A_61] {strides = array<i32>} : memref<512xi32, #tpu.memory_space<vmem>>, vector<16xi32>,
    tpu.vector_store %arg9[%swap3A_61], %shift_right_logical3A_60 {strides = array<i32>} : memref<512xi32, #tpu.memory_space<vmem>>, vector<16xi32>,
    %get3A_63 = arith.constant 64 : index
    %get3A_64 = tpu.vector_load %arg8[%get3A_63] {strides = array<i32>} : memref<512xi32, #tpu.memory_space<vmem>>, vector<16xi32>,
    %shift_right_logical3A_65 = arith.constant 4 : i32
    %shift_right_logical3A_66 = vector.broadcast %shift_right_logical3A_65 : i32 to vector<16xi32>
    %shift_right_logical3A_67 = arith.shrui %get3A_64, %shift_right_logical3A_66 : vector<16xi32>
    %swap3A_68 = arith.constant 64 : index
    %swap3A_69 = tpu.vector_load %arg10[%swap3A_68] {strides = array<i32>} : memref<512xi32, #tpu.memory_space<vmem>>, vector<16xi32>,
    tpu.vector_store %arg10[%swap3A_68], %shift_right_logical3A_67 {strides = array<i32>} : memref<512xi32, #tpu.memory_space<vmem>>, vector<16xi32>,
    %get3A_70 = arith.constant 80 : index
    %get3A_71 = tpu.vector_load %arg7[%get3A_70] {strides = array<i32>} : memref<512xi32, #tpu.memory_space<vmem>>, vector<16xi32>,
    %shift_right_logical3A_72 = arith.constant 4 : i32
    %shift_right_logical3A_73 = vector.broadcast %shift_right_logical3A_72 : i32 to vector<16xi32>
    %shift_right_logical3A_74 = arith.shrui %get3A_71, %shift_right_logical3A_73 : vector<16xi32>
    %swap3A_75 = arith.constant 80 : index
    %swap3A_76 = tpu.vector_load %arg9[%swap3A_75] {strides = array<i32>} : memref<512xi32, #tpu.memory_space<vmem>>, vector<16xi32>,
    tpu.vector_store %arg9[%swap3A_75], %shift_right_logical3A_74 {strides = array<i32>} : memref<512xi32, #tpu.memory_space<vmem>>, vector<16xi32>,
    %get3A_77 = arith.constant 80 : index
    %get3A_78 = tpu.vector_load %arg8[%get3A_77] {strides = array<i32>} : memref<512xi32, #tpu.memory_space<vmem>>, vector<16xi32>,
    %shift_right_logical3A_79 = arith.constant 4 : i32
    %shift_right_logical3A_80 = vector.broadcast %shift_right_logical3A_79 : i32 to vector<16xi32>
    %shift_right_logical3A_81 = arith.shrui %get3A_78, %shift_right_logical3A_80 : vector<16xi32>
    %swap3A_82 = arith.constant 80 : index
    %swap3A_83 = tpu.vector_load %arg10[%swap3A_82] {strides = array<i32>} : memref<512xi32, #tpu.memory_space<vmem>>, vector<16xi32>,
    tpu.vector_store %arg10[%swap3A_82], %shift_right_logical3A_81 {strides = array<i32>} : memref<512xi32, #tpu.memory_space<vmem>>, vector<16xi32>,
    %get3A_84 = arith.constant 96 : index
    %get3A_85 = tpu.vector_load %arg7[%get3A_84] {strides = array<i32>} : memref<512xi32, #tpu.memory_space<vmem>>, vector<16xi32>,
    %shift_right_logical3A_86 = arith.constant 4 : i32
    %shift_right_logical3A_87 = vector.broadcast %shift_right_logical3A_86 : i32 to vector<16xi32>
    %shift_right_logical3A_88 = arith.shrui %get3A_85, %shift_right_logical3A_87 : vector<16xi32>
    %swap3A_89 = arith.constant 96 : index
    %swap3A_90 = tpu.vector_load %arg9[%swap3A_89] {strides = array<i32>} : memref<512xi32, #tpu.memory_space<vmem>>, vector<16xi32>,
    tpu.vector_store %arg9[%swap3A_89], %shift_right_logical3A_88 {strides = array<i32>} : memref<512xi32, #tpu.memory_space<vmem>>, vector<16xi32>,
    %get3A_91 = arith.constant 96 : index
    %get3A_92 = tpu.vector_load %arg8[%get3A_91] {strides = array<i32>} : memref<512xi32, #tpu.memory_space<vmem>>, vector<16xi32>,
    %shift_right_logical3A_93 = arith.constant 4 : i32
    %shift_right_logical3A_94 = vector.broadcast %shift_right_logical3A_93 : i32 to vector<16xi32>
    %shift_right_logical3A_95 = arith.shrui %get3A_92, %shift_right_logical3A_94 : vector<16xi32>
    %swap3A_96 = arith.constant 96 : index
    %swap3A_97 = tpu.vector_load %arg10[%swap3A_96] {strides = array<i32>} : memref<512xi32, #tpu.memory_space<vmem>>, vector<16xi32>,
    tpu.vector_store %arg10[%swap3A_96], %shift_right_logical3A_95 {strides = array<i32>} : memref<512xi32, #tpu.memory_space<vmem>>, vector<16xi32>,
    %get3A_98 = arith.constant 112 : index
    %get3A_99 = tpu.vector_load %arg7[%get3A_98] {strides = array<i32>} : memref<512xi32, #tpu.memory_space<vmem>>, vector<16xi32>,
    %shift_right_logical3A_100 = arith.constant 4 : i32
    %shift_right_logical3A_101 = vector.broadcast %shift_right_logical3A_100 : i32 to vector<16xi32>
    %shift_right_logical3A_102 = arith.shrui %get3A_99, %shift_right_logical3A_101 : vector<16xi32>
    %swap3A_103 = arith.constant 112 : index
    %swap3A_104 = tpu.vector_load %arg9[%swap3A_103] {strides = array<i32>} : memref<512xi32, #tpu.memory_space<vmem>>, vector<16xi32>,
    tpu.vector_store %arg9[%swap3A_103], %shift_right_logical3A_102 {strides = array<i32>} : memref<512xi32, #tpu.memory_space<vmem>>, vector<16xi32>,
    %get3A_105 = arith.constant 112 : index
    %get3A_106 = tpu.vector_load %arg8[%get3A_105] {strides = array<i32>} : memref<512xi32, #tpu.memory_space<vmem>>, vector<16xi32>,
    %shift_right_logical3A_107 = arith.constant 4 : i32
    %shift_right_logical3A_108 = vector.broadcast %shift_right_logical3A_107 : i32 to vector<16xi32>
    %shift_right_logical3A_109 = arith.shrui %get3A_106, %shift_right_logical3A_108 : vector<16xi32>
    %swap3A_110 = arith.constant 112 : index
    %swap3A_111 = tpu.vector_load %arg10[%swap3A_110] {strides = array<i32>} : memref<512xi32, #tpu.memory_space<vmem>>, vector<16xi32>,
    tpu.vector_store %arg10[%swap3A_110], %shift_right_logical3A_109 {strides = array<i32>} : memref<512xi32, #tpu.memory_space<vmem>>, vector<16xi32>,
    %get3A_112 = arith.constant 128 : index
    %get3A_113 = tpu.vector_load %arg7[%get3A_112] {strides = array<i32>} : memref<512xi32, #tpu.memory_space<vmem>>, vector<16xi32>,
    %shift_right_logical3A_114 = arith.constant 4 : i32
    %shift_right_logical3A_115 = vector.broadcast %shift_right_logical3A_114 : i32 to vector<16xi32>
    %shift_right_logical3A_116 = arith.shrui %get3A_113, %shift_right_logical3A_115 : vector<16xi32>
    %swap3A_117 = arith.constant 128 : index
    %swap3A_118 = tpu.vector_load %arg9[%swap3A_117] {strides = array<i32>} : memref<512xi32, #tpu.memory_space<vmem>>, vector<16xi32>,
    tpu.vector_store %arg9[%swap3A_117], %shift_right_logical3A_116 {strides = array<i32>} : memref<512xi32, #tpu.memory_space<vmem>>, vector<16xi32>,
    %get3A_119 = arith.constant 128 : index
    %get3A_120 = tpu.vector_load %arg8[%get3A_119] {strides = array<i32>} : memref<512xi32, #tpu.memory_space<vmem>>, vector<16xi32>,
    %shift_right_logical3A_121 = arith.constant 4 : i32
    %shift_right_logical3A_122 = vector.broadcast %shift_right_logical3A_121 : i32 to vector<16xi32>
    %shift_right_logical3A_123 = arith.shrui %get3A_120, %shift_right_logical3A_122 : vector<16xi32>
    %swap3A_124 = arith.constant 128 : index
    %swap3A_125 = tpu.vector_load %arg10[%swap3A_124] {strides = array<i32>} : memref<512xi32, #tpu.memory_space<vmem>>, vector<16xi32>,
    tpu.vector_store %arg10[%swap3A_124], %shift_right_logical3A_123 {strides = array<i32>} : memref<512xi32, #tpu.memory_space<vmem>>, vector<16xi32>,
    %get3A_126 = arith.constant 144 : index
    %get3A_127 = tpu.vector_load %arg7[%get3A_126] {strides = array<i32>} : memref<512xi32, #tpu.memory_space<vmem>>, vector<16xi32>,
    %shift_right_logical3A_128 = arith.constant 4 : i32
    %shift_right_logical3A_129 = vector.broadcast %shift_right_logical3A_128 : i32 to vector<16xi32>
    %shift_right_logical3A_130 = arith.shrui %get3A_127, %shift_right_logical3A_129 : vector<16xi32>
    %swap3A_131 = arith.constant 144 : index
    %swap3A_132 = tpu.vector_load %arg9[%swap3A_131] {strides = array<i32>} : memref<512xi32, #tpu.memory_space<vmem>>, vector<16xi32>,
    tpu.vector_store %arg9[%swap3A_131], %shift_right_logical3A_130 {strides = array<i32>} : memref<512xi32, #tpu.memory_space<vmem>>, vector<16xi32>,
    %get3A_133 = arith.constant 144 : index
    %get3A_134 = tpu.vector_load %arg8[%get3A_133] {strides = array<i32>} : memref<512xi32, #tpu.memory_space<vmem>>, vector<16xi32>,
    %shift_right_logical3A_135 = arith.constant 4 : i32
    %shift_right_logical3A_136 = vector.broadcast %shift_right_logical3A_135 : i32 to vector<16xi32>
    %shift_right_logical3A_137 = arith.shrui %get3A_134, %shift_right_logical3A_136 : vector<16xi32>
    %swap3A_138 = arith.constant 144 : index
    %swap3A_139 = tpu.vector_load %arg10[%swap3A_138] {strides = array<i32>} : memref<512xi32, #tpu.memory_space<vmem>>, vector<16xi32>,
    tpu.vector_store %arg10[%swap3A_138], %shift_right_logical3A_137 {strides = array<i32>} : memref<512xi32, #tpu.memory_space<vmem>>, vector<16xi32>,
    %get3A_140 = arith.constant 160 : index
    %get3A_141 = tpu.vector_load %arg7[%get3A_140] {strides = array<i32>} : memref<512xi32, #tpu.memory_space<vmem>>, vector<16xi32>,
    %shift_right_logical3A_142 = arith.constant 4 : i32
    %shift_right_logical3A_143 = vector.broadcast %shift_right_logical3A_142 : i32 to vector<16xi32>
    %shift_right_logical3A_144 = arith.shrui %get3A_141, %shift_right_logical3A_143 : vector<16xi32>
    %swap3A_145 = arith.constant 160 : index
    %swap3A_146 = tpu.vector_load %arg9[%swap3A_145] {strides = array<i32>} : memref<512xi32, #tpu.memory_space<vmem>>, vector<16xi32>,
    tpu.vector_store %arg9[%swap3A_145], %shift_right_logical3A_144 {strides = array<i32>} : memref<512xi32, #tpu.memory_space<vmem>>, vector<16xi32>,
    %get3A_147 = arith.constant 160 : index
    %get3A_148 = tpu.vector_load %arg8[%get3A_147] {strides = array<i32>} : memref<512xi32, #tpu.memory_space<vmem>>, vector<16xi32>,
    %shift_right_logical3A_149 = arith.constant 4 : i32
    %shift_right_logical3A_150 = vector.broadcast %shift_right_logical3A_149 : i32 to vector<16xi32>
    %shift_right_logical3A_151 = arith.shrui %get3A_148, %shift_right_logical3A_150 : vector<16xi32>
    %swap3A_152 = arith.constant 160 : index
    %swap3A_153 = tpu.vector_load %arg10[%swap3A_152] {strides = array<i32>} : memref<512xi32, #tpu.memory_space<vmem>>, vector<16xi32>,
    tpu.vector_store %arg10[%swap3A_152], %shift_right_logical3A_151 {strides = array<i32>} : memref<512xi32, #tpu.memory_space<vmem>>, vector<16xi32>,
    %get3A_154 = arith.constant 176 : index
    %get3A_155 = tpu.vector_load %arg7[%get3A_154] {strides = array<i32>} : memref<512xi32, #tpu.memory_space<vmem>>, vector<16xi32>,
    %shift_right_logical3A_156 = arith.constant 4 : i32
    %shift_right_logical3A_157 = vector.broadcast %shift_right_logical3A_156 : i32 to vector<16xi32>
    %shift_right_logical3A_158 = arith.shrui %get3A_155, %shift_right_logical3A_157 : vector<16xi32>
    %swap3A_159 = arith.constant 176 : index
    %swap3A_160 = tpu.vector_load %arg9[%swap3A_159] {strides = array<i32>} : memref<512xi32, #tpu.memory_space<vmem>>, vector<16xi32>,
    tpu.vector_store %arg9[%swap3A_159], %shift_right_logical3A_158 {strides = array<i32>} : memref<512xi32, #tpu.memory_space<vmem>>, vector<16xi32>,
    %get3A_161 = arith.constant 176 : index
    %get3A_162 = tpu.vector_load %arg8[%get3A_161] {strides = array<i32>} : memref<512xi32, #tpu.memory_space<vmem>>, vector<16xi32>,
    %shift_right_logical3A_163 = arith.constant 4 : i32
    %shift_right_logical3A_164 = vector.broadcast %shift_right_logical3A_163 : i32 to vector<16xi32>
    %shift_right_logical3A_165 = arith.shrui %get3A_162, %shift_right_logical3A_164 : vector<16xi32>
    %swap3A_166 = arith.constant 176 : index
    %swap3A_167 = tpu.vector_load %arg10[%swap3A_166] {strides = array<i32>} : memref<512xi32, #tpu.memory_space<vmem>>, vector<16xi32>,
    tpu.vector_store %arg10[%swap3A_166], %shift_right_logical3A_165 {strides = array<i32>} : memref<512xi32, #tpu.memory_space<vmem>>, vector<16xi32>,
    %get3A_168 = arith.constant 192 : index
    %get3A_169 = tpu.vector_load %arg7[%get3A_168] {strides = array<i32>} : memref<512xi32, #tpu.memory_space<vmem>>, vector<16xi32>,
    %shift_right_logical3A_170 = arith.constant 4 : i32
    %shift_right_logical3A_171 = vector.broadcast %shift_right_logical3A_170 : i32 to vector<16xi32>
    %shift_right_logical3A_172 = arith.shrui %get3A_169, %shift_right_logical3A_171 : vector<16xi32>
    %swap3A_173 = arith.constant 192 : index
    %swap3A_174 = tpu.vector_load %arg9[%swap3A_173] {strides = array<i32>} : memref<512xi32, #tpu.memory_space<vmem>>, vector<16xi32>,
    tpu.vector_store %arg9[%swap3A_173], %shift_right_logical3A_172 {strides = array<i32>} : memref<512xi32, #tpu.memory_space<vmem>>, vector<16xi32>,
    %get3A_175 = arith.constant 192 : index
    %get3A_176 = tpu.vector_load %arg8[%get3A_175] {strides = array<i32>} : memref<512xi32, #tpu.memory_space<vmem>>, vector<16xi32>,
    %shift_right_logical3A_177 = arith.constant 4 : i32
    %shift_right_logical3A_178 = vector.broadcast %shift_right_logical3A_177 : i32 to vector<16xi32>
    %shift_right_logical3A_179 = arith.shrui %get3A_176, %shift_right_logical3A_178 : vector<16xi32>
    %swap3A_180 = arith.constant 192 : index
    %swap3A_181 = tpu.vector_load %arg10[%swap3A_180] {strides = array<i32>} : memref<512xi32, #tpu.memory_space<vmem>>, vector<16xi32>,
    tpu.vector_store %arg10[%swap3A_180], %shift_right_logical3A_179 {strides = array<i32>} : memref<512xi32, #tpu.memory_space<vmem>>, vector<16xi32>,
    %get3A_182 = arith.constant 208 : index
    %get3A_183 = tpu.vector_load %arg7[%get3A_182] {strides = array<i32>} : memref<512xi32, #tpu.memory_space<vmem>>, vector<16xi32>,
    %shift_right_logical3A_184 = arith.constant 4 : i32
    %shift_right_logical3A_185 = vector.broadcast %shift_right_logical3A_184 : i32 to vector<16xi32>
    %shift_right_logical3A_186 = arith.shrui %get3A_183, %shift_right_logical3A_185 : vector<16xi32>
    %swap3A_187 = arith.constant 208 : index
    %swap3A_188 = tpu.vector_load %arg9[%swap3A_187] {strides = array<i32>} : memref<512xi32, #tpu.memory_space<vmem>>, vector<16xi32>,
    tpu.vector_store %arg9[%swap3A_187], %shift_right_logical3A_186 {strides = array<i32>} : memref<512xi32, #tpu.memory_space<vmem>>, vector<16xi32>,
    %get3A_189 = arith.constant 208 : index
    %get3A_190 = tpu.vector_load %arg8[%get3A_189] {strides = array<i32>} : memref<512xi32, #tpu.memory_space<vmem>>, vector<16xi32>,
    %shift_right_logical3A_191 = arith.constant 4 : i32
    %shift_right_logical3A_192 = vector.broadcast %shift_right_logical3A_191 : i32 to vector<16xi32>
    %shift_right_logical3A_193 = arith.shrui %get3A_190, %shift_right_logical3A_192 : vector<16xi32>
    %swap3A_194 = arith.constant 208 : index
    %swap3A_195 = tpu.vector_load %arg10[%swap3A_194] {strides = array<i32>} : memref<512xi32, #tpu.memory_space<vmem>>, vector<16xi32>,
    tpu.vector_store %arg10[%swap3A_194], %shift_right_logical3A_193 {strides = array<i32>} : memref<512xi32, #tpu.memory_space<vmem>>, vector<16xi32>,
    %get3A_196 = arith.constant 224 : index
    %get3A_197 = tpu.vector_load %arg7[%get3A_196] {strides = array<i32>} : memref<512xi32, #tpu.memory_space<vmem>>, vector<16xi32>,
    %shift_right_logical3A_198 = arith.constant 4 : i32
    %shift_right_logical3A_199 = vector.broadcast %shift_right_logical3A_198 : i32 to vector<16xi32>
    %shift_right_logical3A_200 = arith.shrui %get3A_197, %shift_right_logical3A_199 : vector<16xi32>
    %swap3A_201 = arith.constant 224 : index
    %swap3A_202 = tpu.vector_load %arg9[%swap3A_201] {strides = array<i32>} : memref<512xi32, #tpu.memory_space<vmem>>, vector<16xi32>,
    tpu.vector_store %arg9[%swap3A_201], %shift_right_logical3A_200 {strides = array<i32>} : memref<512xi32, #tpu.memory_space<vmem>>, vector<16xi32>,
    %get3A_203 = arith.constant 224 : index
    %get3A_204 = tpu.vector_load %arg8[%get3A_203] {strides = array<i32>} : memref<512xi32, #tpu.memory_space<vmem>>, vector<16xi32>,
    %shift_right_logical3A_205 = arith.constant 4 : i32
    %shift_right_logical3A_206 = vector.broadcast %shift_right_logical3A_205 : i32 to vector<16xi32>
    %shift_right_logical3A_207 = arith.shrui %get3A_204, %shift_right_logical3A_206 : vector<16xi32>
    %swap3A_208 = arith.constant 224 : index
    %swap3A_209 = tpu.vector_load %arg10[%swap3A_208] {strides = array<i32>} : memref<512xi32, #tpu.memory_space<vmem>>, vector<16xi32>,
    tpu.vector_store %arg10[%swap3A_208], %shift_right_logical3A_207 {strides = array<i32>} : memref<512xi32, #tpu.memory_space<vmem>>, vector<16xi32>,
    %get3A_210 = arith.constant 240 : index
    %get3A_211 = tpu.vector_load %arg7[%get3A_210] {strides = array<i32>} : memref<512xi32, #tpu.memory_space<vmem>>, vector<16xi32>,
    %shift_right_logical3A_212 = arith.constant 4 : i32
    %shift_right_logical3A_213 = vector.broadcast %shift_right_logical3A_212 : i32 to vector<16xi32>
    %shift_right_logical3A_214 = arith.shrui %get3A_211, %shift_right_logical3A_213 : vector<16xi32>
    %swap3A_215 = arith.constant 240 : index
    %swap3A_216 = tpu.vector_load %arg9[%swap3A_215] {strides = array<i32>} : memref<512xi32, #tpu.memory_space<vmem>>, vector<16xi32>,
    tpu.vector_store %arg9[%swap3A_215], %shift_right_logical3A_214 {strides = array<i32>} : memref<512xi32, #tpu.memory_space<vmem>>, vector<16xi32>,
    %get3A_217 = arith.constant 240 : index
    %get3A_218 = tpu.vector_load %arg8[%get3A_217] {strides = array<i32>} : memref<512xi32, #tpu.memory_space<vmem>>, vector<16xi32>,
    %shift_right_logical3A_219 = arith.constant 4 : i32
    %shift_right_logical3A_220 = vector.broadcast %shift_right_logical3A_219 : i32 to vector<16xi32>
    %shift_right_logical3A_221 = arith.shrui %get3A_218, %shift_right_logical3A_220 : vector<16xi32>
    %swap3A_222 = arith.constant 240 : index
    %swap3A_223 = tpu.vector_load %arg10[%swap3A_222] {strides = array<i32>} : memref<512xi32, #tpu.memory_space<vmem>>, vector<16xi32>,
    tpu.vector_store %arg10[%swap3A_222], %shift_right_logical3A_221 {strides = array<i32>} : memref<512xi32, #tpu.memory_space<vmem>>, vector<16xi32>,
    %get3A_224 = arith.constant 256 : index
    %get3A_225 = tpu.vector_load %arg7[%get3A_224] {strides = array<i32>} : memref<512xi32, #tpu.memory_space<vmem>>, vector<16xi32>,
    %shift_right_logical3A_226 = arith.constant 4 : i32
    %shift_right_logical3A_227 = vector.broadcast %shift_right_logical3A_226 : i32 to vector<16xi32>
    %shift_right_logical3A_228 = arith.shrui %get3A_225, %shift_right_logical3A_227 : vector<16xi32>
    %swap3A_229 = arith.constant 256 : index
    %swap3A_230 = tpu.vector_load %arg9[%swap3A_229] {strides = array<i32>} : memref<512xi32, #tpu.memory_space<vmem>>, vector<16xi32>,
    tpu.vector_store %arg9[%swap3A_229], %shift_right_logical3A_228 {strides = array<i32>} : memref<512xi32, #tpu.memory_space<vmem>>, vector<16xi32>,
    %get3A_231 = arith.constant 256 : index
    %get3A_232 = tpu.vector_load %arg8[%get3A_231] {strides = array<i32>} : memref<512xi32, #tpu.memory_space<vmem>>, vector<16xi32>,
    %shift_right_logical3A_233 = arith.constant 4 : i32
    %shift_right_logical3A_234 = vector.broadcast %shift_right_logical3A_233 : i32 to vector<16xi32>
    %shift_right_logical3A_235 = arith.shrui %get3A_232, %shift_right_logical3A_234 : vector<16xi32>
    %swap3A_236 = arith.constant 256 : index
    %swap3A_237 = tpu.vector_load %arg10[%swap3A_236] {strides = array<i32>} : memref<512xi32, #tpu.memory_space<vmem>>, vector<16xi32>,
    tpu.vector_store %arg10[%swap3A_236], %shift_right_logical3A_235 {strides = array<i32>} : memref<512xi32, #tpu.memory_space<vmem>>, vector<16xi32>,
    %get3A_238 = arith.constant 272 : index
    %get3A_239 = tpu.vector_load %arg7[%get3A_238] {strides = array<i32>} : memref<512xi32, #tpu.memory_space<vmem>>, vector<16xi32>,
    %shift_right_logical3A_240 = arith.constant 4 : i32
    %shift_right_logical3A_241 = vector.broadcast %shift_right_logical3A_240 : i32 to vector<16xi32>
    %shift_right_logical3A_242 = arith.shrui %get3A_239, %shift_right_logical3A_241 : vector<16xi32>
    %swap3A_243 = arith.constant 272 : index
    %swap3A_244 = tpu.vector_load %arg9[%swap3A_243] {strides = array<i32>} : memref<512xi32, #tpu.memory_space<vmem>>, vector<16xi32>,
    tpu.vector_store %arg9[%swap3A_243], %shift_right_logical3A_242 {strides = array<i32>} : memref<512xi32, #tpu.memory_space<vmem>>, vector<16xi32>,
    %get3A_245 = arith.constant 272 : index
    %get3A_246 = tpu.vector_load %arg8[%get3A_245] {strides = array<i32>} : memref<512xi32, #tpu.memory_space<vmem>>, vector<16xi32>,
    %shift_right_logical3A_247 = arith.constant 4 : i32
    %shift_right_logical3A_248 = vector.broadcast %shift_right_logical3A_247 : i32 to vector<16xi32>
    %shift_right_logical3A_249 = arith.shrui %get3A_246, %shift_right_logical3A_248 : vector<16xi32>
    %swap3A_250 = arith.constant 272 : index
    %swap3A_251 = tpu.vector_load %arg10[%swap3A_250] {strides = array<i32>} : memref<512xi32, #tpu.memory_space<vmem>>, vector<16xi32>,
    tpu.vector_store %arg10[%swap3A_250], %shift_right_logical3A_249 {strides = array<i32>} : memref<512xi32, #tpu.memory_space<vmem>>, vector<16xi32>,
    %get3A_252 = arith.constant 288 : index
    %get3A_253 = tpu.vector_load %arg7[%get3A_252] {strides = array<i32>} : memref<512xi32, #tpu.memory_space<vmem>>, vector<16xi32>,
    %shift_right_logical3A_254 = arith.constant 4 : i32
    %shift_right_logical3A_255 = vector.broadcast %shift_right_logical3A_254 : i32 to vector<16xi32>
    %shift_right_logical3A_256 = arith.shrui %get3A_253, %shift_right_logical3A_255 : vector<16xi32>
    %swap3A_257 = arith.constant 288 : index
    %swap3A_258 = tpu.vector_load %arg9[%swap3A_257] {strides = array<i32>} : memref<512xi32, #tpu.memory_space<vmem>>, vector<16xi32>,
    tpu.vector_store %arg9[%swap3A_257], %shift_right_logical3A_256 {strides = array<i32>} : memref<512xi32, #tpu.memory_space<vmem>>, vector<16xi32>,
    %get3A_259 = arith.constant 288 : index
    %get3A_260 = tpu.vector_load %arg8[%get3A_259] {strides = array<i32>} : memref<512xi32, #tpu.memory_space<vmem>>, vector<16xi32>,
    %shift_right_logical3A_261 = arith.constant 4 : i32
    %shift_right_logical3A_262 = vector.broadcast %shift_right_logical3A_261 : i32 to vector<16xi32>
    %shift_right_logical3A_263 = arith.shrui %get3A_260, %shift_right_logical3A_262 : vector<16xi32>
    %swap3A_264 = arith.constant 288 : index
    %swap3A_265 = tpu.vector_load %arg10[%swap3A_264] {strides = array<i32>} : memref<512xi32, #tpu.memory_space<vmem>>, vector<16xi32>,
    tpu.vector_store %arg10[%swap3A_264], %shift_right_logical3A_263 {strides = array<i32>} : memref<512xi32, #tpu.memory_space<vmem>>, vector<16xi32>,
    %get3A_266 = arith.constant 304 : index
    %get3A_267 = tpu.vector_load %arg7[%get3A_266] {strides = array<i32>} : memref<512xi32, #tpu.memory_space<vmem>>, vector<16xi32>,
    %shift_right_logical3A_268 = arith.constant 4 : i32
    %shift_right_logical3A_269 = vector.broadcast %shift_right_logical3A_268 : i32 to vector<16xi32>
    %shift_right_logical3A_270 = arith.shrui %get3A_267, %shift_right_logical3A_269 : vector<16xi32>
    %swap3A_271 = arith.constant 304 : index
    %swap3A_272 = tpu.vector_load %arg9[%swap3A_271] {strides = array<i32>} : memref<512xi32, #tpu.memory_space<vmem>>, vector<16xi32>,
    tpu.vector_store %arg9[%swap3A_271], %shift_right_logical3A_270 {strides = array<i32>} : memref<512xi32, #tpu.memory_space<vmem>>, vector<16xi32>,
    %get3A_273 = arith.constant 304 : index
    %get3A_274 = tpu.vector_load %arg8[%get3A_273] {strides = array<i32>} : memref<512xi32, #tpu.memory_space<vmem>>, vector<16xi32>,
    %shift_right_logical3A_275 = arith.constant 4 : i32
    %shift_right_logical3A_276 = vector.broadcast %shift_right_logical3A_275 : i32 to vector<16xi32>
    %shift_right_logical3A_277 = arith.shrui %get3A_274, %shift_right_logical3A_276 : vector<16xi32>
    %swap3A_278 = arith.constant 304 : index
    %swap3A_279 = tpu.vector_load %arg10[%swap3A_278] {strides = array<i32>} : memref<512xi32, #tpu.memory_space<vmem>>, vector<16xi32>,
    tpu.vector_store %arg10[%swap3A_278], %shift_right_logical3A_277 {strides = array<i32>} : memref<512xi32, #tpu.memory_space<vmem>>, vector<16xi32>,
    %get3A_280 = arith.constant 320 : index
    %get3A_281 = tpu.vector_load %arg7[%get3A_280] {strides = array<i32>} : memref<512xi32, #tpu.memory_space<vmem>>, vector<16xi32>,
    %shift_right_logical3A_282 = arith.constant 4 : i32
    %shift_right_logical3A_283 = vector.broadcast %shift_right_logical3A_282 : i32 to vector<16xi32>
    %shift_right_logical3A_284 = arith.shrui %get3A_281, %shift_right_logical3A_283 : vector<16xi32>
    %swap3A_285 = arith.constant 320 : index
    %swap3A_286 = tpu.vector_load %arg9[%swap3A_285] {strides = array<i32>} : memref<512xi32, #tpu.memory_space<vmem>>, vector<16xi32>,
    tpu.vector_store %arg9[%swap3A_285], %shift_right_logical3A_284 {strides = array<i32>} : memref<512xi32, #tpu.memory_space<vmem>>, vector<16xi32>,
    %get3A_287 = arith.constant 320 : index
    %get3A_288 = tpu.vector_load %arg8[%get3A_287] {strides = array<i32>} : memref<512xi32, #tpu.memory_space<vmem>>, vector<16xi32>,
    %shift_right_logical3A_289 = arith.constant 4 : i32
    %shift_right_logical3A_290 = vector.broadcast %shift_right_logical3A_289 : i32 to vector<16xi32>
    %shift_right_logical3A_291 = arith.shrui %get3A_288, %shift_right_logical3A_290 : vector<16xi32>
    %swap3A_292 = arith.constant 320 : index
    %swap3A_293 = tpu.vector_load %arg10[%swap3A_292] {strides = array<i32>} : memref<512xi32, #tpu.memory_space<vmem>>, vector<16xi32>,
    tpu.vector_store %arg10[%swap3A_292], %shift_right_logical3A_291 {strides = array<i32>} : memref<512xi32, #tpu.memory_space<vmem>>, vector<16xi32>,
    %get3A_294 = arith.constant 336 : index
    %get3A_295 = tpu.vector_load %arg7[%get3A_294] {strides = array<i32>} : memref<512xi32, #tpu.memory_space<vmem>>, vector<16xi32>,
    %shift_right_logical3A_296 = arith.constant 4 : i32
    %shift_right_logical3A_297 = vector.broadcast %shift_right_logical3A_296 : i32 to vector<16xi32>
    %shift_right_logical3A_298 = arith.shrui %get3A_295, %shift_right_logical3A_297 : vector<16xi32>
    %swap3A_299 = arith.constant 336 : index
    %swap3A_300 = tpu.vector_load %arg9[%swap3A_299] {strides = array<i32>} : memref<512xi32, #tpu.memory_space<vmem>>, vector<16xi32>,
    tpu.vector_store %arg9[%swap3A_299], %shift_right_logical3A_298 {strides = array<i32>} : memref<512xi32, #tpu.memory_space<vmem>>, vector<16xi32>,
    %get3A_301 = arith.constant 336 : index
    %get3A_302 = tpu.vector_load %arg8[%get3A_301] {strides = array<i32>} : memref<512xi32, #tpu.memory_space<vmem>>, vector<16xi32>,
    %shift_right_logical3A_303 = arith.constant 4 : i32
    %shift_right_logical3A_304 = vector.broadcast %shift_right_logical3A_303 : i32 to vector<16xi32>
    %shift_right_logical3A_305 = arith.shrui %get3A_302, %shift_right_logical3A_304 : vector<16xi32>
    %swap3A_306 = arith.constant 336 : index
    %swap3A_307 = tpu.vector_load %arg10[%swap3A_306] {strides = array<i32>} : memref<512xi32, #tpu.memory_space<vmem>>, vector<16xi32>,
    tpu.vector_store %arg10[%swap3A_306], %shift_right_logical3A_305 {strides = array<i32>} : memref<512xi32, #tpu.memory_space<vmem>>, vector<16xi32>,
    %get3A_308 = arith.constant 352 : index
    %get3A_309 = tpu.vector_load %arg7[%get3A_308] {strides = array<i32>} : memref<512xi32, #tpu.memory_space<vmem>>, vector<16xi32>,
    %shift_right_logical3A_310 = arith.constant 4 : i32
    %shift_right_logical3A_311 = vector.broadcast %shift_right_logical3A_310 : i32 to vector<16xi32>
    %shift_right_logical3A_312 = arith.shrui %get3A_309, %shift_right_logical3A_311 : vector<16xi32>
    %swap3A_313 = arith.constant 352 : index
    %swap3A_314 = tpu.vector_load %arg9[%swap3A_313] {strides = array<i32>} : memref<512xi32, #tpu.memory_space<vmem>>, vector<16xi32>,
    tpu.vector_store %arg9[%swap3A_313], %shift_right_logical3A_312 {strides = array<i32>} : memref<512xi32, #tpu.memory_space<vmem>>, vector<16xi32>,
    %get3A_315 = arith.constant 352 : index
    %get3A_316 = tpu.vector_load %arg8[%get3A_315] {strides = array<i32>} : memref<512xi32, #tpu.memory_space<vmem>>, vector<16xi32>,
    %shift_right_logical3A_317 = arith.constant 4 : i32
    %shift_right_logical3A_318 = vector.broadcast %shift_right_logical3A_317 : i32 to vector<16xi32>
    %shift_right_logical3A_319 = arith.shrui %get3A_316, %shift_right_logical3A_318 : vector<16xi32>
    %swap3A_320 = arith.constant 352 : index
    %swap3A_321 = tpu.vector_load %arg10[%swap3A_320] {strides = array<i32>} : memref<512xi32, #tpu.memory_space<vmem>>, vector<16xi32>,
    tpu.vector_store %arg10[%swap3A_320], %shift_right_logical3A_319 {strides = array<i32>} : memref<512xi32, #tpu.memory_space<vmem>>, vector<16xi32>,
    %get3A_322 = arith.constant 368 : index
    %get3A_323 = tpu.vector_load %arg7[%get3A_322] {strides = array<i32>} : memref<512xi32, #tpu.memory_space<vmem>>, vector<16xi32>,
    %shift_right_logical3A_324 = arith.constant 4 : i32
    %shift_right_logical3A_325 = vector.broadcast %shift_right_logical3A_324 : i32 to vector<16xi32>
    %shift_right_logical3A_326 = arith.shrui %get3A_323, %shift_right_logical3A_325 : vector<16xi32>
    %swap3A_327 = arith.constant 368 : index
    %swap3A_328 = tpu.vector_load %arg9[%swap3A_327] {strides = array<i32>} : memref<512xi32, #tpu.memory_space<vmem>>, vector<16xi32>,
    tpu.vector_store %arg9[%swap3A_327], %shift_right_logical3A_326 {strides = array<i32>} : memref<512xi32, #tpu.memory_space<vmem>>, vector<16xi32>,
    %get3A_329 = arith.constant 368 : index
    %get3A_330 = tpu.vector_load %arg8[%get3A_329] {strides = array<i32>} : memref<512xi32, #tpu.memory_space<vmem>>, vector<16xi32>,
    %shift_right_logical3A_331 = arith.constant 4 : i32
    %shift_right_logical3A_332 = vector.broadcast %shift_right_logical3A_331 : i32 to vector<16xi32>
    %shift_right_logical3A_333 = arith.shrui %get3A_330, %shift_right_logical3A_332 : vector<16xi32>
    %swap3A_334 = arith.constant 368 : index
    %swap3A_335 = tpu.vector_load %arg10[%swap3A_334] {strides = array<i32>} : memref<512xi32, #tpu.memory_space<vmem>>, vector<16xi32>,
    tpu.vector_store %arg10[%swap3A_334], %shift_right_logical3A_333 {strides = array<i32>} : memref<512xi32, #tpu.memory_space<vmem>>, vector<16xi32>,
    %get3A_336 = arith.constant 384 : index
    %get3A_337 = tpu.vector_load %arg7[%get3A_336] {strides = array<i32>} : memref<512xi32, #tpu.memory_space<vmem>>, vector<16xi32>,
    %shift_right_logical3A_338 = arith.constant 4 : i32
    %shift_right_logical3A_339 = vector.broadcast %shift_right_logical3A_338 : i32 to vector<16xi32>
    %shift_right_logical3A_340 = arith.shrui %get3A_337, %shift_right_logical3A_339 : vector<16xi32>
    %swap3A_341 = arith.constant 384 : index
    %swap3A_342 = tpu.vector_load %arg9[%swap3A_341] {strides = array<i32>} : memref<512xi32, #tpu.memory_space<vmem>>, vector<16xi32>,
    tpu.vector_store %arg9[%swap3A_341], %shift_right_logical3A_340 {strides = array<i32>} : memref<512xi32, #tpu.memory_space<vmem>>, vector<16xi32>,
    %get3A_343 = arith.constant 384 : index
    %get3A_344 = tpu.vector_load %arg8[%get3A_343] {strides = array<i32>} : memref<512xi32, #tpu.memory_space<vmem>>, vector<16xi32>,
    %shift_right_logical3A_345 = arith.constant 4 : i32
    %shift_right_logical3A_346 = vector.broadcast %shift_right_logical3A_345 : i32 to vector<16xi32>
    %shift_right_logical3A_347 = arith.shrui %get3A_344, %shift_right_logical3A_346 : vector<16xi32>
    %swap3A_348 = arith.constant 384 : index
    %swap3A_349 = tpu.vector_load %arg10[%swap3A_348] {strides = array<i32>} : memref<512xi32, #tpu.memory_space<vmem>>, vector<16xi32>,
    tpu.vector_store %arg10[%swap3A_348], %shift_right_logical3A_347 {strides = array<i32>} : memref<512xi32, #tpu.memory_space<vmem>>, vector<16xi32>,
    %get3A_350 = arith.constant 400 : index
    %get3A_351 = tpu.vector_load %arg7[%get3A_350] {strides = array<i32>} : memref<512xi32, #tpu.memory_space<vmem>>, vector<16xi32>,
    %shift_right_logical3A_352 = arith.constant 4 : i32
    %shift_right_logical3A_353 = vector.broadcast %shift_right_logical3A_352 : i32 to vector<16xi32>
    %shift_right_logical3A_354 = arith.shrui %get3A_351, %shift_right_logical3A_353 : vector<16xi32>
    %swap3A_355 = arith.constant 400 : index
    %swap3A_356 = tpu.vector_load %arg9[%swap3A_355] {strides = array<i32>} : memref<512xi32, #tpu.memory_space<vmem>>, vector<16xi32>,
    tpu.vector_store %arg9[%swap3A_355], %shift_right_logical3A_354 {strides = array<i32>} : memref<512xi32, #tpu.memory_space<vmem>>, vector<16xi32>,
    %get3A_357 = arith.constant 400 : index
    %get3A_358 = tpu.vector_load %arg8[%get3A_357] {strides = array<i32>} : memref<512xi32, #tpu.memory_space<vmem>>, vector<16xi32>,
    %shift_right_logical3A_359 = arith.constant 4 : i32
    %shift_right_logical3A_360 = vector.broadcast %shift_right_logical3A_359 : i32 to vector<16xi32>
    %shift_right_logical3A_361 = arith.shrui %get3A_358, %shift_right_logical3A_360 : vector<16xi32>
    %swap3A_362 = arith.constant 400 : index
    %swap3A_363 = tpu.vector_load %arg10[%swap3A_362] {strides = array<i32>} : memref<512xi32, #tpu.memory_space<vmem>>, vector<16xi32>,
    tpu.vector_store %arg10[%swap3A_362], %shift_right_logical3A_361 {strides = array<i32>} : memref<512xi32, #tpu.memory_space<vmem>>, vector<16xi32>,
    %get3A_364 = arith.constant 416 : index
    %get3A_365 = tpu.vector_load %arg7[%get3A_364] {strides = array<i32>} : memref<512xi32, #tpu.memory_space<vmem>>, vector<16xi32>,
    %shift_right_logical3A_366 = arith.constant 4 : i32
    %shift_right_logical3A_367 = vector.broadcast %shift_right_logical3A_366 : i32 to vector<16xi32>
    %shift_right_logical3A_368 = arith.shrui %get3A_365, %shift_right_logical3A_367 : vector<16xi32>
    %swap3A_369 = arith.constant 416 : index
    %swap3A_370 = tpu.vector_load %arg9[%swap3A_369] {strides = array<i32>} : memref<512xi32, #tpu.memory_space<vmem>>, vector<16xi32>,
    tpu.vector_store %arg9[%swap3A_369], %shift_right_logical3A_368 {strides = array<i32>} : memref<512xi32, #tpu.memory_space<vmem>>, vector<16xi32>,
    %get3A_371 = arith.constant 416 : index
    %get3A_372 = tpu.vector_load %arg8[%get3A_371] {strides = array<i32>} : memref<512xi32, #tpu.memory_space<vmem>>, vector<16xi32>,
    %shift_right_logical3A_373 = arith.constant 4 : i32
    %shift_right_logical3A_374 = vector.broadcast %shift_right_logical3A_373 : i32 to vector<16xi32>
    %shift_right_logical3A_375 = arith.shrui %get3A_372, %shift_right_logical3A_374 : vector<16xi32>
    %swap3A_376 = arith.constant 416 : index
    %swap3A_377 = tpu.vector_load %arg10[%swap3A_376] {strides = array<i32>} : memref<512xi32, #tpu.memory_space<vmem>>, vector<16xi32>,
    tpu.vector_store %arg10[%swap3A_376], %shift_right_logical3A_375 {strides = array<i32>} : memref<512xi32, #tpu.memory_space<vmem>>, vector<16xi32>,
    %get3A_378 = arith.constant 432 : index
    %get3A_379 = tpu.vector_load %arg7[%get3A_378] {strides = array<i32>} : memref<512xi32, #tpu.memory_space<vmem>>, vector<16xi32>,
    %shift_right_logical3A_380 = arith.constant 4 : i32
    %shift_right_logical3A_381 = vector.broadcast %shift_right_logical3A_380 : i32 to vector<16xi32>
    %shift_right_logical3A_382 = arith.shrui %get3A_379, %shift_right_logical3A_381 : vector<16xi32>
    %swap3A_383 = arith.constant 432 : index
    %swap3A_384 = tpu.vector_load %arg9[%swap3A_383] {strides = array<i32>} : memref<512xi32, #tpu.memory_space<vmem>>, vector<16xi32>,
    tpu.vector_store %arg9[%swap3A_383], %shift_right_logical3A_382 {strides = array<i32>} : memref<512xi32, #tpu.memory_space<vmem>>, vector<16xi32>,
    %get3A_385 = arith.constant 432 : index
    %get3A_386 = tpu.vector_load %arg8[%get3A_385] {strides = array<i32>} : memref<512xi32, #tpu.memory_space<vmem>>, vector<16xi32>,
    %shift_right_logical3A_387 = arith.constant 4 : i32
    %shift_right_logical3A_388 = vector.broadcast %shift_right_logical3A_387 : i32 to vector<16xi32>
    %shift_right_logical3A_389 = arith.shrui %get3A_386, %shift_right_logical3A_388 : vector<16xi32>
    %swap3A_390 = arith.constant 432 : index
    %swap3A_391 = tpu.vector_load %arg10[%swap3A_390] {strides = array<i32>} : memref<512xi32, #tpu.memory_space<vmem>>, vector<16xi32>,
    tpu.vector_store %arg10[%swap3A_390], %shift_right_logical3A_389 {strides = array<i32>} : memref<512xi32, #tpu.memory_space<vmem>>, vector<16xi32>,
    %get3A_392 = arith.constant 448 : index
    %get3A_393 = tpu.vector_load %arg7[%get3A_392] {strides = array<i32>} : memref<512xi32, #tpu.memory_space<vmem>>, vector<16xi32>,
    %shift_right_logical3A_394 = arith.constant 4 : i32
    %shift_right_logical3A_395 = vector.broadcast %shift_right_logical3A_394 : i32 to vector<16xi32>
    %shift_right_logical3A_396 = arith.shrui %get3A_393, %shift_right_logical3A_395 : vector<16xi32>
    %swap3A_397 = arith.constant 448 : index
    %swap3A_398 = tpu.vector_load %arg9[%swap3A_397] {strides = array<i32>} : memref<512xi32, #tpu.memory_space<vmem>>, vector<16xi32>,
    tpu.vector_store %arg9[%swap3A_397], %shift_right_logical3A_396 {strides = array<i32>} : memref<512xi32, #tpu.memory_space<vmem>>, vector<16xi32>,
    %get3A_399 = arith.constant 448 : index
    %get3A_400 = tpu.vector_load %arg8[%get3A_399] {strides = array<i32>} : memref<512xi32, #tpu.memory_space<vmem>>, vector<16xi32>,
    %shift_right_logical3A_401 = arith.constant 4 : i32
    %shift_right_logical3A_402 = vector.broadcast %shift_right_logical3A_401 : i32 to vector<16xi32>
    %shift_right_logical3A_403 = arith.shrui %get3A_400, %shift_right_logical3A_402 : vector<16xi32>
    %swap3A_404 = arith.constant 448 : index
    %swap3A_405 = tpu.vector_load %arg10[%swap3A_404] {strides = array<i32>} : memref<512xi32, #tpu.memory_space<vmem>>, vector<16xi32>,
    tpu.vector_store %arg10[%swap3A_404], %shift_right_logical3A_403 {strides = array<i32>} : memref<512xi32, #tpu.memory_space<vmem>>, vector<16xi32>,
    %get3A_406 = arith.constant 464 : index
    %get3A_407 = tpu.vector_load %arg7[%get3A_406] {strides = array<i32>} : memref<512xi32, #tpu.memory_space<vmem>>, vector<16xi32>,
    %shift_right_logical3A_408 = arith.constant 4 : i32
    %shift_right_logical3A_409 = vector.broadcast %shift_right_logical3A_408 : i32 to vector<16xi32>
    %shift_right_logical3A_410 = arith.shrui %get3A_407, %shift_right_logical3A_409 : vector<16xi32>
    %swap3A_411 = arith.constant 464 : index
    %swap3A_412 = tpu.vector_load %arg9[%swap3A_411] {strides = array<i32>} : memref<512xi32, #tpu.memory_space<vmem>>, vector<16xi32>,
    tpu.vector_store %arg9[%swap3A_411], %shift_right_logical3A_410 {strides = array<i32>} : memref<512xi32, #tpu.memory_space<vmem>>, vector<16xi32>,
    %get3A_413 = arith.constant 464 : index
    %get3A_414 = tpu.vector_load %arg8[%get3A_413] {strides = array<i32>} : memref<512xi32, #tpu.memory_space<vmem>>, vector<16xi32>,
    %shift_right_logical3A_415 = arith.constant 4 : i32
    %shift_right_logical3A_416 = vector.broadcast %shift_right_logical3A_415 : i32 to vector<16xi32>
    %shift_right_logical3A_417 = arith.shrui %get3A_414, %shift_right_logical3A_416 : vector<16xi32>
    %swap3A_418 = arith.constant 464 : index
    %swap3A_419 = tpu.vector_load %arg10[%swap3A_418] {strides = array<i32>} : memref<512xi32, #tpu.memory_space<vmem>>, vector<16xi32>,
    tpu.vector_store %arg10[%swap3A_418], %shift_right_logical3A_417 {strides = array<i32>} : memref<512xi32, #tpu.memory_space<vmem>>, vector<16xi32>,
    %get3A_420 = arith.constant 480 : index
    %get3A_421 = tpu.vector_load %arg7[%get3A_420] {strides = array<i32>} : memref<512xi32, #tpu.memory_space<vmem>>, vector<16xi32>,
    %shift_right_logical3A_422 = arith.constant 4 : i32
    %shift_right_logical3A_423 = vector.broadcast %shift_right_logical3A_422 : i32 to vector<16xi32>
    %shift_right_logical3A_424 = arith.shrui %get3A_421, %shift_right_logical3A_423 : vector<16xi32>
    %swap3A_425 = arith.constant 480 : index
    %swap3A_426 = tpu.vector_load %arg9[%swap3A_425] {strides = array<i32>} : memref<512xi32, #tpu.memory_space<vmem>>, vector<16xi32>,
    tpu.vector_store %arg9[%swap3A_425], %shift_right_logical3A_424 {strides = array<i32>} : memref<512xi32, #tpu.memory_space<vmem>>, vector<16xi32>,
    %get3A_427 = arith.constant 480 : index
    %get3A_428 = tpu.vector_load %arg8[%get3A_427] {strides = array<i32>} : memref<512xi32, #tpu.memory_space<vmem>>, vector<16xi32>,
    %shift_right_logical3A_429 = arith.constant 4 : i32
    %shift_right_logical3A_430 = vector.broadcast %shift_right_logical3A_429 : i32 to vector<16xi32>
    %shift_right_logical3A_431 = arith.shrui %get3A_428, %shift_right_logical3A_430 : vector<16xi32>
    %swap3A_432 = arith.constant 480 : index
    %swap3A_433 = tpu.vector_load %arg10[%swap3A_432] {strides = array<i32>} : memref<512xi32, #tpu.memory_space<vmem>>, vector<16xi32>,
    tpu.vector_store %arg10[%swap3A_432], %shift_right_logical3A_431 {strides = array<i32>} : memref<512xi32, #tpu.memory_space<vmem>>, vector<16xi32>,
    %get3A_434 = arith.constant 496 : index
    %get3A_435 = tpu.vector_load %arg7[%get3A_434] {strides = array<i32>} : memref<512xi32, #tpu.memory_space<vmem>>, vector<16xi32>,
    %shift_right_logical3A_436 = arith.constant 4 : i32
    %shift_right_logical3A_437 = vector.broadcast %shift_right_logical3A_436 : i32 to vector<16xi32>
    %shift_right_logical3A_438 = arith.shrui %get3A_435, %shift_right_logical3A_437 : vector<16xi32>
    %swap3A_439 = arith.constant 496 : index
    %swap3A_440 = tpu.vector_load %arg9[%swap3A_439] {strides = array<i32>} : memref<512xi32, #tpu.memory_space<vmem>>, vector<16xi32>,
    tpu.vector_store %arg9[%swap3A_439], %shift_right_logical3A_438 {strides = array<i32>} : memref<512xi32, #tpu.memory_space<vmem>>, vector<16xi32>,
    %get3A_441 = arith.constant 496 : index
    %get3A_442 = tpu.vector_load %arg8[%get3A_441] {strides = array<i32>} : memref<512xi32, #tpu.memory_space<vmem>>, vector<16xi32>,
    %shift_right_logical3A_443 = arith.constant 4 : i32
    %shift_right_logical3A_444 = vector.broadcast %shift_right_logical3A_443 : i32 to vector<16xi32>
    %shift_right_logical3A_445 = arith.shrui %get3A_442, %shift_right_logical3A_444 : vector<16xi32>
    %swap3A_446 = arith.constant 496 : index
    %swap3A_447 = tpu.vector_load %arg10[%swap3A_446] {strides = array<i32>} : memref<512xi32, #tpu.memory_space<vmem>>, vector<16xi32>,
    tpu.vector_store %arg10[%swap3A_446], %shift_right_logical3A_445 {strides = array<i32>} : memref<512xi32, #tpu.memory_space<vmem>>, vector<16xi32>,
    %dma_start3A = arith.constant 0 : i32
    %dma_start3A_448 = arith.constant 0 : i32
    %dma_start3A_449 = tpu.memref_slice %arg11[%dma_start3A, %dma_start3A_448] : memref<512x16xf32, #tpu.memory_space<vmem>> -> memref<128x16xf32, #tpu.memory_space<vmem>>
    %dma_start3A_450 = arith.constant 0 : i32
    %dma_start3A_451 = tpu.memref_slice %arg9[%dma_start3A_450] : memref<512xi32, #tpu.memory_space<vmem>> -> memref<128xi32, #tpu.memory_space<vmem>>
    %dma_start3A_452 = arith.constant 0 : i32
    %dma_start3A_453 = arith.constant 0 : i32
    %dma_start3A_454 = tpu.memref_slice %arg4[%dma_start3A_452, %dma_start3A_453] : memref<62500x16xf32, #tpu.memory_space<hbm>> -> memref<62500x16xf32, #tpu.memory_space<hbm>>
    tpu.enqueue_indirect_dma source(%dma_start3A_454 : memref<62500x16xf32, #tpu.memory_space<hbm>>) target(%dma_start3A_449 : memref<128x16xf32, #tpu.memory_space<vmem>>) offsets(%dma_start3A_451 : memref<128xi32, #tpu.memory_space<vmem>>) semaphore(%arg14 : memref<!tpu.dma_semaphore, #tpu.memory_space<semaphore_mem>>)
    %dma_start3A_455 = arith.constant 0 : i32
    %dma_start3A_456 = arith.constant 0 : i32
    %dma_start3A_457 = tpu.memref_slice %arg12[%dma_start3A_455, %dma_start3A_456] : memref<512x16xf32, #tpu.memory_space<vmem>> -> memref<128x16xf32, #tpu.memory_space<vmem>>
    %dma_start3A_458 = arith.constant 0 : i32
    %dma_start3A_459 = tpu.memref_slice %arg10[%dma_start3A_458] : memref<512xi32, #tpu.memory_space<vmem>> -> memref<128xi32, #tpu.memory_space<vmem>>
    %dma_start3A_460 = arith.constant 0 : i32
    %dma_start3A_461 = arith.constant 0 : i32
    %dma_start3A_462 = tpu.memref_slice %arg5[%dma_start3A_460, %dma_start3A_461] : memref<6250x16xf32, #tpu.memory_space<hbm>> -> memref<6250x16xf32, #tpu.memory_space<hbm>>
    tpu.enqueue_indirect_dma source(%dma_start3A_462 : memref<6250x16xf32, #tpu.memory_space<hbm>>) target(%dma_start3A_457 : memref<128x16xf32, #tpu.memory_space<vmem>>) offsets(%dma_start3A_459 : memref<128xi32, #tpu.memory_space<vmem>>) semaphore(%arg14 : memref<!tpu.dma_semaphore, #tpu.memory_space<semaphore_mem>>)
    %dma_start3A_463 = arith.constant 128 : i32
    %dma_start3A_464 = arith.constant 0 : i32
    %dma_start3A_465 = tpu.memref_slice %arg11[%dma_start3A_463, %dma_start3A_464] : memref<512x16xf32, #tpu.memory_space<vmem>> -> memref<128x16xf32, #tpu.memory_space<vmem>>
    %dma_start3A_466 = arith.constant 128 : i32
    %dma_start3A_467 = tpu.memref_slice %arg9[%dma_start3A_466] : memref<512xi32, #tpu.memory_space<vmem>> -> memref<128xi32, #tpu.memory_space<vmem>>
    %dma_start3A_468 = arith.constant 0 : i32
    %dma_start3A_469 = arith.constant 0 : i32
    %dma_start3A_470 = tpu.memref_slice %arg4[%dma_start3A_468, %dma_start3A_469] : memref<62500x16xf32, #tpu.memory_space<hbm>> -> memref<62500x16xf32, #tpu.memory_space<hbm>>
    tpu.enqueue_indirect_dma source(%dma_start3A_470 : memref<62500x16xf32, #tpu.memory_space<hbm>>) target(%dma_start3A_465 : memref<128x16xf32, #tpu.memory_space<vmem>>) offsets(%dma_start3A_467 : memref<128xi32, #tpu.memory_space<vmem>>) semaphore(%arg14 : memref<!tpu.dma_semaphore, #tpu.memory_space<semaphore_mem>>)
    %dma_start3A_471 = arith.constant 128 : i32
    %dma_start3A_472 = arith.constant 0 : i32
    %dma_start3A_473 = tpu.memref_slice %arg12[%dma_start3A_471, %dma_start3A_472] : memref<512x16xf32, #tpu.memory_space<vmem>> -> memref<128x16xf32, #tpu.memory_space<vmem>>
    %dma_start3A_474 = arith.constant 128 : i32
    %dma_start3A_475 = tpu.memref_slice %arg10[%dma_start3A_474] : memref<512xi32, #tpu.memory_space<vmem>> -> memref<128xi32, #tpu.memory_space<vmem>>
    %dma_start3A_476 = arith.constant 0 : i32
    %dma_start3A_477 = arith.constant 0 : i32
    %dma_start3A_478 = tpu.memref_slice %arg5[%dma_start3A_476, %dma_start3A_477] : memref<6250x16xf32, #tpu.memory_space<hbm>> -> memref<6250x16xf32, #tpu.memory_space<hbm>>
    tpu.enqueue_indirect_dma source(%dma_start3A_478 : memref<6250x16xf32, #tpu.memory_space<hbm>>) target(%dma_start3A_473 : memref<128x16xf32, #tpu.memory_space<vmem>>) offsets(%dma_start3A_475 : memref<128xi32, #tpu.memory_space<vmem>>) semaphore(%arg14 : memref<!tpu.dma_semaphore, #tpu.memory_space<semaphore_mem>>)
    %dma_start3A_479 = arith.constant 256 : i32
    %dma_start3A_480 = arith.constant 0 : i32
    %dma_start3A_481 = tpu.memref_slice %arg11[%dma_start3A_479, %dma_start3A_480] : memref<512x16xf32, #tpu.memory_space<vmem>> -> memref<128x16xf32, #tpu.memory_space<vmem>>
    %dma_start3A_482 = arith.constant 256 : i32
    %dma_start3A_483 = tpu.memref_slice %arg9[%dma_start3A_482] : memref<512xi32, #tpu.memory_space<vmem>> -> memref<128xi32, #tpu.memory_space<vmem>>
    %dma_start3A_484 = arith.constant 0 : i32
    %dma_start3A_485 = arith.constant 0 : i32
    %dma_start3A_486 = tpu.memref_slice %arg4[%dma_start3A_484, %dma_start3A_485] : memref<62500x16xf32, #tpu.memory_space<hbm>> -> memref<62500x16xf32, #tpu.memory_space<hbm>>
    tpu.enqueue_indirect_dma source(%dma_start3A_486 : memref<62500x16xf32, #tpu.memory_space<hbm>>) target(%dma_start3A_481 : memref<128x16xf32, #tpu.memory_space<vmem>>) offsets(%dma_start3A_483 : memref<128xi32, #tpu.memory_space<vmem>>) semaphore(%arg14 : memref<!tpu.dma_semaphore, #tpu.memory_space<semaphore_mem>>)
    %dma_start3A_487 = arith.constant 256 : i32
    %dma_start3A_488 = arith.constant 0 : i32
    %dma_start3A_489 = tpu.memref_slice %arg12[%dma_start3A_487, %dma_start3A_488] : memref<512x16xf32, #tpu.memory_space<vmem>> -> memref<128x16xf32, #tpu.memory_space<vmem>>
    %dma_start3A_490 = arith.constant 256 : i32
    %dma_start3A_491 = tpu.memref_slice %arg10[%dma_start3A_490] : memref<512xi32, #tpu.memory_space<vmem>> -> memref<128xi32, #tpu.memory_space<vmem>>
    %dma_start3A_492 = arith.constant 0 : i32
    %dma_start3A_493 = arith.constant 0 : i32
    %dma_start3A_494 = tpu.memref_slice %arg5[%dma_start3A_492, %dma_start3A_493] : memref<6250x16xf32, #tpu.memory_space<hbm>> -> memref<6250x16xf32, #tpu.memory_space<hbm>>
    tpu.enqueue_indirect_dma source(%dma_start3A_494 : memref<6250x16xf32, #tpu.memory_space<hbm>>) target(%dma_start3A_489 : memref<128x16xf32, #tpu.memory_space<vmem>>) offsets(%dma_start3A_491 : memref<128xi32, #tpu.memory_space<vmem>>) semaphore(%arg14 : memref<!tpu.dma_semaphore, #tpu.memory_space<semaphore_mem>>)
    %dma_start3A_495 = arith.constant 384 : i32
    %dma_start3A_496 = arith.constant 0 : i32
    %dma_start3A_497 = tpu.memref_slice %arg11[%dma_start3A_495, %dma_start3A_496] : memref<512x16xf32, #tpu.memory_space<vmem>> -> memref<128x16xf32, #tpu.memory_space<vmem>>
    %dma_start3A_498 = arith.constant 384 : i32
    %dma_start3A_499 = tpu.memref_slice %arg9[%dma_start3A_498] : memref<512xi32, #tpu.memory_space<vmem>> -> memref<128xi32, #tpu.memory_space<vmem>>
    %dma_start3A_500 = arith.constant 0 : i32
    %dma_start3A_501 = arith.constant 0 : i32
    %dma_start3A_502 = tpu.memref_slice %arg4[%dma_start3A_500, %dma_start3A_501] : memref<62500x16xf32, #tpu.memory_space<hbm>> -> memref<62500x16xf32, #tpu.memory_space<hbm>>
    tpu.enqueue_indirect_dma source(%dma_start3A_502 : memref<62500x16xf32, #tpu.memory_space<hbm>>) target(%dma_start3A_497 : memref<128x16xf32, #tpu.memory_space<vmem>>) offsets(%dma_start3A_499 : memref<128xi32, #tpu.memory_space<vmem>>) semaphore(%arg14 : memref<!tpu.dma_semaphore, #tpu.memory_space<semaphore_mem>>)
    %dma_start3A_503 = arith.constant 384 : i32
    %dma_start3A_504 = arith.constant 0 : i32
    %dma_start3A_505 = tpu.memref_slice %arg12[%dma_start3A_503, %dma_start3A_504] : memref<512x16xf32, #tpu.memory_space<vmem>> -> memref<128x16xf32, #tpu.memory_space<vmem>>
    %dma_start3A_506 = arith.constant 384 : i32
    %dma_start3A_507 = tpu.memref_slice %arg10[%dma_start3A_506] : memref<512xi32, #tpu.memory_space<vmem>> -> memref<128xi32, #tpu.memory_space<vmem>>
    %dma_start3A_508 = arith.constant 0 : i32
    %dma_start3A_509 = arith.constant 0 : i32
    %dma_start3A_510 = tpu.memref_slice %arg5[%dma_start3A_508, %dma_start3A_509] : memref<6250x16xf32, #tpu.memory_space<hbm>> -> memref<6250x16xf32, #tpu.memory_space<hbm>>
    tpu.enqueue_indirect_dma source(%dma_start3A_510 : memref<6250x16xf32, #tpu.memory_space<hbm>>) target(%dma_start3A_505 : memref<128x16xf32, #tpu.memory_space<vmem>>) offsets(%dma_start3A_507 : memref<128xi32, #tpu.memory_space<vmem>>) semaphore(%arg14 : memref<!tpu.dma_semaphore, #tpu.memory_space<semaphore_mem>>)
    %dma_wait3A = arith.constant 0 : i32
    %dma_wait3A_511 = arith.constant 0 : i32
    %dma_wait3A_512 = tpu.memref_slice %arg11[%dma_wait3A, %dma_wait3A_511] : memref<512x16xf32, #tpu.memory_space<vmem>> -> memref<128x16xf32, #tpu.memory_space<vmem>>
    %dma_wait3A_513 = arith.constant 0 : i32
    %dma_wait3A_514 = tpu.memref_slice %arg9[%dma_wait3A_513] : memref<512xi32, #tpu.memory_space<vmem>> -> memref<128xi32, #tpu.memory_space<vmem>>
    %dma_wait3A_515 = arith.constant 0 : i32
    %dma_wait3A_516 = arith.constant 0 : i32
    %dma_wait3A_517 = tpu.memref_slice %arg4[%dma_wait3A_515, %dma_wait3A_516] : memref<62500x16xf32, #tpu.memory_space<hbm>> -> memref<62500x16xf32, #tpu.memory_space<hbm>>
    tpu.wait_indirect_dma semaphore(%arg14 : memref<!tpu.dma_semaphore, #tpu.memory_space<semaphore_mem>>) src(%dma_wait3A_517 : memref<62500x16xf32, #tpu.memory_space<hbm>>) dst(%dma_wait3A_512 : memref<128x16xf32, #tpu.memory_space<vmem>>)
    %dma_wait3A_518 = arith.constant 0 : i32
    %dma_wait3A_519 = arith.constant 0 : i32
    %dma_wait3A_520 = tpu.memref_slice %arg12[%dma_wait3A_518, %dma_wait3A_519] : memref<512x16xf32, #tpu.memory_space<vmem>> -> memref<128x16xf32, #tpu.memory_space<vmem>>
    %dma_wait3A_521 = arith.constant 0 : i32
    %dma_wait3A_522 = tpu.memref_slice %arg10[%dma_wait3A_521] : memref<512xi32, #tpu.memory_space<vmem>> -> memref<128xi32, #tpu.memory_space<vmem>>
    %dma_wait3A_523 = arith.constant 0 : i32
    %dma_wait3A_524 = arith.constant 0 : i32
    %dma_wait3A_525 = tpu.memref_slice %arg5[%dma_wait3A_523, %dma_wait3A_524] : memref<6250x16xf32, #tpu.memory_space<hbm>> -> memref<6250x16xf32, #tpu.memory_space<hbm>>
    tpu.wait_indirect_dma semaphore(%arg14 : memref<!tpu.dma_semaphore, #tpu.memory_space<semaphore_mem>>) src(%dma_wait3A_525 : memref<6250x16xf32, #tpu.memory_space<hbm>>) dst(%dma_wait3A_520 : memref<128x16xf32, #tpu.memory_space<vmem>>)
    %dma_wait3A_526 = arith.constant 128 : i32
    %dma_wait3A_527 = arith.constant 0 : i32
    %dma_wait3A_528 = tpu.memref_slice %arg11[%dma_wait3A_526, %dma_wait3A_527] : memref<512x16xf32, #tpu.memory_space<vmem>> -> memref<128x16xf32, #tpu.memory_space<vmem>>
    %dma_wait3A_529 = arith.constant 128 : i32
    %dma_wait3A_530 = tpu.memref_slice %arg9[%dma_wait3A_529] : memref<512xi32, #tpu.memory_space<vmem>> -> memref<128xi32, #tpu.memory_space<vmem>>
    %dma_wait3A_531 = arith.constant 0 : i32
    %dma_wait3A_532 = arith.constant 0 : i32
    %dma_wait3A_533 = tpu.memref_slice %arg4[%dma_wait3A_531, %dma_wait3A_532] : memref<62500x16xf32, #tpu.memory_space<hbm>> -> memref<62500x16xf32, #tpu.memory_space<hbm>>
    tpu.wait_indirect_dma semaphore(%arg14 : memref<!tpu.dma_semaphore, #tpu.memory_space<semaphore_mem>>) src(%dma_wait3A_533 : memref<62500x16xf32, #tpu.memory_space<hbm>>) dst(%dma_wait3A_528 : memref<128x16xf32, #tpu.memory_space<vmem>>)
    %dma_wait3A_534 = arith.constant 128 : i32
    %dma_wait3A_535 = arith.constant 0 : i32
    %dma_wait3A_536 = tpu.memref_slice %arg12[%dma_wait3A_534, %dma_wait3A_535] : memref<512x16xf32, #tpu.memory_space<vmem>> -> memref<128x16xf32, #tpu.memory_space<vmem>>
    %dma_wait3A_537 = arith.constant 128 : i32
    %dma_wait3A_538 = tpu.memref_slice %arg10[%dma_wait3A_537] : memref<512xi32, #tpu.memory_space<vmem>> -> memref<128xi32, #tpu.memory_space<vmem>>
    %dma_wait3A_539 = arith.constant 0 : i32
    %dma_wait3A_540 = arith.constant 0 : i32
    %dma_wait3A_541 = tpu.memref_slice %arg5[%dma_wait3A_539, %dma_wait3A_540] : memref<6250x16xf32, #tpu.memory_space<hbm>> -> memref<6250x16xf32, #tpu.memory_space<hbm>>
    tpu.wait_indirect_dma semaphore(%arg14 : memref<!tpu.dma_semaphore, #tpu.memory_space<semaphore_mem>>) src(%dma_wait3A_541 : memref<6250x16xf32, #tpu.memory_space<hbm>>) dst(%dma_wait3A_536 : memref<128x16xf32, #tpu.memory_space<vmem>>)
    %dma_wait3A_542 = arith.constant 256 : i32
    %dma_wait3A_543 = arith.constant 0 : i32
    %dma_wait3A_544 = tpu.memref_slice %arg11[%dma_wait3A_542, %dma_wait3A_543] : memref<512x16xf32, #tpu.memory_space<vmem>> -> memref<128x16xf32, #tpu.memory_space<vmem>>
    %dma_wait3A_545 = arith.constant 256 : i32
    %dma_wait3A_546 = tpu.memref_slice %arg9[%dma_wait3A_545] : memref<512xi32, #tpu.memory_space<vmem>> -> memref<128xi32, #tpu.memory_space<vmem>>
    %dma_wait3A_547 = arith.constant 0 : i32
    %dma_wait3A_548 = arith.constant 0 : i32
    %dma_wait3A_549 = tpu.memref_slice %arg4[%dma_wait3A_547, %dma_wait3A_548] : memref<62500x16xf32, #tpu.memory_space<hbm>> -> memref<62500x16xf32, #tpu.memory_space<hbm>>
    tpu.wait_indirect_dma semaphore(%arg14 : memref<!tpu.dma_semaphore, #tpu.memory_space<semaphore_mem>>) src(%dma_wait3A_549 : memref<62500x16xf32, #tpu.memory_space<hbm>>) dst(%dma_wait3A_544 : memref<128x16xf32, #tpu.memory_space<vmem>>)
    %dma_wait3A_550 = arith.constant 256 : i32
    %dma_wait3A_551 = arith.constant 0 : i32
    %dma_wait3A_552 = tpu.memref_slice %arg12[%dma_wait3A_550, %dma_wait3A_551] : memref<512x16xf32, #tpu.memory_space<vmem>> -> memref<128x16xf32, #tpu.memory_space<vmem>>
    %dma_wait3A_553 = arith.constant 256 : i32
    %dma_wait3A_554 = tpu.memref_slice %arg10[%dma_wait3A_553] : memref<512xi32, #tpu.memory_space<vmem>> -> memref<128xi32, #tpu.memory_space<vmem>>
    %dma_wait3A_555 = arith.constant 0 : i32
    %dma_wait3A_556 = arith.constant 0 : i32
    %dma_wait3A_557 = tpu.memref_slice %arg5[%dma_wait3A_555, %dma_wait3A_556] : memref<6250x16xf32, #tpu.memory_space<hbm>> -> memref<6250x16xf32, #tpu.memory_space<hbm>>
    tpu.wait_indirect_dma semaphore(%arg14 : memref<!tpu.dma_semaphore, #tpu.memory_space<semaphore_mem>>) src(%dma_wait3A_557 : memref<6250x16xf32, #tpu.memory_space<hbm>>) dst(%dma_wait3A_552 : memref<128x16xf32, #tpu.memory_space<vmem>>)
    %dma_wait3A_558 = arith.constant 384 : i32
    %dma_wait3A_559 = arith.constant 0 : i32
    %dma_wait3A_560 = tpu.memref_slice %arg11[%dma_wait3A_558, %dma_wait3A_559] : memref<512x16xf32, #tpu.memory_space<vmem>> -> memref<128x16xf32, #tpu.memory_space<vmem>>
    %dma_wait3A_561 = arith.constant 384 : i32
    %dma_wait3A_562 = tpu.memref_slice %arg9[%dma_wait3A_561] : memref<512xi32, #tpu.memory_space<vmem>> -> memref<128xi32, #tpu.memory_space<vmem>>
    %dma_wait3A_563 = arith.constant 0 : i32
    %dma_wait3A_564 = arith.constant 0 : i32
    %dma_wait3A_565 = tpu.memref_slice %arg4[%dma_wait3A_563, %dma_wait3A_564] : memref<62500x16xf32, #tpu.memory_space<hbm>> -> memref<62500x16xf32, #tpu.memory_space<hbm>>
    tpu.wait_indirect_dma semaphore(%arg14 : memref<!tpu.dma_semaphore, #tpu.memory_space<semaphore_mem>>) src(%dma_wait3A_565 : memref<62500x16xf32, #tpu.memory_space<hbm>>) dst(%dma_wait3A_560 : memref<128x16xf32, #tpu.memory_space<vmem>>)
    %dma_wait3A_566 = arith.constant 384 : i32
    %dma_wait3A_567 = arith.constant 0 : i32
    %dma_wait3A_568 = tpu.memref_slice %arg12[%dma_wait3A_566, %dma_wait3A_567] : memref<512x16xf32, #tpu.memory_space<vmem>> -> memref<128x16xf32, #tpu.memory_space<vmem>>
    %dma_wait3A_569 = arith.constant 384 : i32
    %dma_wait3A_570 = tpu.memref_slice %arg10[%dma_wait3A_569] : memref<512xi32, #tpu.memory_space<vmem>> -> memref<128xi32, #tpu.memory_space<vmem>>
    %dma_wait3A_571 = arith.constant 0 : i32
    %dma_wait3A_572 = arith.constant 0 : i32
    %dma_wait3A_573 = tpu.memref_slice %arg5[%dma_wait3A_571, %dma_wait3A_572] : memref<6250x16xf32, #tpu.memory_space<hbm>> -> memref<6250x16xf32, #tpu.memory_space<hbm>>
    tpu.wait_indirect_dma semaphore(%arg14 : memref<!tpu.dma_semaphore, #tpu.memory_space<semaphore_mem>>) src(%dma_wait3A_573 : memref<6250x16xf32, #tpu.memory_space<hbm>>) dst(%dma_wait3A_568 : memref<128x16xf32, #tpu.memory_space<vmem>>)
    %iota3A = tpu.iota {dimensions = array<i32: 0>} : vector<16xi32>
    %add3A_574 = arith.constant 0 : i32
    %add3A_575 = vector.broadcast %add3A_574 : i32 to vector<16xi32>
    %add3A_576 = arith.addi %iota3A, %add3A_575 : vector<16xi32>
    %get3A_577 = arith.constant 0 : index
    %get3A_578 = tpu.vector_load %arg7[%get3A_577] {strides = array<i32>} : memref<512xi32, #tpu.memory_space<vmem>>, vector<16xi32>,
    %and3A = arith.constant 15 : i32
    %and3A_579 = vector.broadcast %and3A : i32 to vector<16xi32>
    %and3A_580 = arith.andi %get3A_578, %and3A_579 : vector<16xi32>
    %get3A_581 = arith.constant 0 : index
    %get3A_582 = tpu.vector_load %arg8[%get3A_581] {strides = array<i32>} : memref<512xi32, #tpu.memory_space<vmem>>, vector<16xi32>,
    %and3A_583 = arith.constant 15 : i32
    %and3A_584 = vector.broadcast %and3A_583 : i32 to vector<16xi32>
    %and3A_585 = arith.andi %get3A_582, %and3A_584 : vector<16xi32>
    %gather3A = tpu.vector_load_idx %arg11[%add3A_576, %and3A_580] : memref<512x16xf32, #tpu.memory_space<vmem>>[vector<16xi32>, vector<16xi32>], vector<16xf32>,
    %gather3A_586 = tpu.vector_load_idx %arg12[%add3A_576, %and3A_585] : memref<512x16xf32, #tpu.memory_space<vmem>>[vector<16xi32>, vector<16xi32>], vector<16xf32>,
    %add3A_587 = arith.addf %gather3A, %gather3A_586 : vector<16xf32>
    %swap3A_588 = arith.constant 0 : index
    %swap3A_589 = tpu.vector_load %arg13[%swap3A_588] {strides = array<i32>} : memref<512xf32, #tpu.memory_space<vmem>>, vector<16xf32>,
    tpu.vector_store %arg13[%swap3A_588], %add3A_587 {strides = array<i32>} : memref<512xf32, #tpu.memory_space<vmem>>, vector<16xf32>,
    %add3A_590 = arith.constant 16 : i32
    %add3A_591 = vector.broadcast %add3A_590 : i32 to vector<16xi32>
    %add3A_592 = arith.addi %iota3A, %add3A_591 : vector<16xi32>
    %get3A_593 = arith.constant 16 : index
    %get3A_594 = tpu.vector_load %arg7[%get3A_593] {strides = array<i32>} : memref<512xi32, #tpu.memory_space<vmem>>, vector<16xi32>,
    %and3A_595 = arith.constant 15 : i32
    %and3A_596 = vector.broadcast %and3A_595 : i32 to vector<16xi32>
    %and3A_597 = arith.andi %get3A_594, %and3A_596 : vector<16xi32>
    %get3A_598 = arith.constant 16 : index
    %get3A_599 = tpu.vector_load %arg8[%get3A_598] {strides = array<i32>} : memref<512xi32, #tpu.memory_space<vmem>>, vector<16xi32>,
    %and3A_600 = arith.constant 15 : i32
    %and3A_601 = vector.broadcast %and3A_600 : i32 to vector<16xi32>
    %and3A_602 = arith.andi %get3A_599, %and3A_601 : vector<16xi32>
    %gather3A_603 = tpu.vector_load_idx %arg11[%add3A_592, %and3A_597] : memref<512x16xf32, #tpu.memory_space<vmem>>[vector<16xi32>, vector<16xi32>], vector<16xf32>,
    %gather3A_604 = tpu.vector_load_idx %arg12[%add3A_592, %and3A_602] : memref<512x16xf32, #tpu.memory_space<vmem>>[vector<16xi32>, vector<16xi32>], vector<16xf32>,
    %add3A_605 = arith.addf %gather3A_603, %gather3A_604 : vector<16xf32>
    %swap3A_606 = arith.constant 16 : index
    %swap3A_607 = tpu.vector_load %arg13[%swap3A_606] {strides = array<i32>} : memref<512xf32, #tpu.memory_space<vmem>>, vector<16xf32>,
    tpu.vector_store %arg13[%swap3A_606], %add3A_605 {strides = array<i32>} : memref<512xf32, #tpu.memory_space<vmem>>, vector<16xf32>,
    %add3A_608 = arith.constant 32 : i32
    %add3A_609 = vector.broadcast %add3A_608 : i32 to vector<16xi32>
    %add3A_610 = arith.addi %iota3A, %add3A_609 : vector<16xi32>
    %get3A_611 = arith.constant 32 : index
    %get3A_612 = tpu.vector_load %arg7[%get3A_611] {strides = array<i32>} : memref<512xi32, #tpu.memory_space<vmem>>, vector<16xi32>,
    %and3A_613 = arith.constant 15 : i32
    %and3A_614 = vector.broadcast %and3A_613 : i32 to vector<16xi32>
    %and3A_615 = arith.andi %get3A_612, %and3A_614 : vector<16xi32>
    %get3A_616 = arith.constant 32 : index
    %get3A_617 = tpu.vector_load %arg8[%get3A_616] {strides = array<i32>} : memref<512xi32, #tpu.memory_space<vmem>>, vector<16xi32>,
    %and3A_618 = arith.constant 15 : i32
    %and3A_619 = vector.broadcast %and3A_618 : i32 to vector<16xi32>
    %and3A_620 = arith.andi %get3A_617, %and3A_619 : vector<16xi32>
    %gather3A_621 = tpu.vector_load_idx %arg11[%add3A_610, %and3A_615] : memref<512x16xf32, #tpu.memory_space<vmem>>[vector<16xi32>, vector<16xi32>], vector<16xf32>,
    %gather3A_622 = tpu.vector_load_idx %arg12[%add3A_610, %and3A_620] : memref<512x16xf32, #tpu.memory_space<vmem>>[vector<16xi32>, vector<16xi32>], vector<16xf32>,
    %add3A_623 = arith.addf %gather3A_621, %gather3A_622 : vector<16xf32>
    %swap3A_624 = arith.constant 32 : index
    %swap3A_625 = tpu.vector_load %arg13[%swap3A_624] {strides = array<i32>} : memref<512xf32, #tpu.memory_space<vmem>>, vector<16xf32>,
    tpu.vector_store %arg13[%swap3A_624], %add3A_623 {strides = array<i32>} : memref<512xf32, #tpu.memory_space<vmem>>, vector<16xf32>,
    %add3A_626 = arith.constant 48 : i32
    %add3A_627 = vector.broadcast %add3A_626 : i32 to vector<16xi32>
    %add3A_628 = arith.addi %iota3A, %add3A_627 : vector<16xi32>
    %get3A_629 = arith.constant 48 : index
    %get3A_630 = tpu.vector_load %arg7[%get3A_629] {strides = array<i32>} : memref<512xi32, #tpu.memory_space<vmem>>, vector<16xi32>,
    %and3A_631 = arith.constant 15 : i32
    %and3A_632 = vector.broadcast %and3A_631 : i32 to vector<16xi32>
    %and3A_633 = arith.andi %get3A_630, %and3A_632 : vector<16xi32>
    %get3A_634 = arith.constant 48 : index
    %get3A_635 = tpu.vector_load %arg8[%get3A_634] {strides = array<i32>} : memref<512xi32, #tpu.memory_space<vmem>>, vector<16xi32>,
    %and3A_636 = arith.constant 15 : i32
    %and3A_637 = vector.broadcast %and3A_636 : i32 to vector<16xi32>
    %and3A_638 = arith.andi %get3A_635, %and3A_637 : vector<16xi32>
    %gather3A_639 = tpu.vector_load_idx %arg11[%add3A_628, %and3A_633] : memref<512x16xf32, #tpu.memory_space<vmem>>[vector<16xi32>, vector<16xi32>], vector<16xf32>,
    %gather3A_640 = tpu.vector_load_idx %arg12[%add3A_628, %and3A_638] : memref<512x16xf32, #tpu.memory_space<vmem>>[vector<16xi32>, vector<16xi32>], vector<16xf32>,
    %add3A_641 = arith.addf %gather3A_639, %gather3A_640 : vector<16xf32>
    %swap3A_642 = arith.constant 48 : index
    %swap3A_643 = tpu.vector_load %arg13[%swap3A_642] {strides = array<i32>} : memref<512xf32, #tpu.memory_space<vmem>>, vector<16xf32>,
    tpu.vector_store %arg13[%swap3A_642], %add3A_641 {strides = array<i32>} : memref<512xf32, #tpu.memory_space<vmem>>, vector<16xf32>,
    %add3A_644 = arith.constant 64 : i32
    %add3A_645 = vector.broadcast %add3A_644 : i32 to vector<16xi32>
    %add3A_646 = arith.addi %iota3A, %add3A_645 : vector<16xi32>
    %get3A_647 = arith.constant 64 : index
    %get3A_648 = tpu.vector_load %arg7[%get3A_647] {strides = array<i32>} : memref<512xi32, #tpu.memory_space<vmem>>, vector<16xi32>,
    %and3A_649 = arith.constant 15 : i32
    %and3A_650 = vector.broadcast %and3A_649 : i32 to vector<16xi32>
    %and3A_651 = arith.andi %get3A_648, %and3A_650 : vector<16xi32>
    %get3A_652 = arith.constant 64 : index
    %get3A_653 = tpu.vector_load %arg8[%get3A_652] {strides = array<i32>} : memref<512xi32, #tpu.memory_space<vmem>>, vector<16xi32>,
    %and3A_654 = arith.constant 15 : i32
    %and3A_655 = vector.broadcast %and3A_654 : i32 to vector<16xi32>
    %and3A_656 = arith.andi %get3A_653, %and3A_655 : vector<16xi32>
    %gather3A_657 = tpu.vector_load_idx %arg11[%add3A_646, %and3A_651] : memref<512x16xf32, #tpu.memory_space<vmem>>[vector<16xi32>, vector<16xi32>], vector<16xf32>,
    %gather3A_658 = tpu.vector_load_idx %arg12[%add3A_646, %and3A_656] : memref<512x16xf32, #tpu.memory_space<vmem>>[vector<16xi32>, vector<16xi32>], vector<16xf32>,
    %add3A_659 = arith.addf %gather3A_657, %gather3A_658 : vector<16xf32>
    %swap3A_660 = arith.constant 64 : index
    %swap3A_661 = tpu.vector_load %arg13[%swap3A_660] {strides = array<i32>} : memref<512xf32, #tpu.memory_space<vmem>>, vector<16xf32>,
    tpu.vector_store %arg13[%swap3A_660], %add3A_659 {strides = array<i32>} : memref<512xf32, #tpu.memory_space<vmem>>, vector<16xf32>,
    %add3A_662 = arith.constant 80 : i32
    %add3A_663 = vector.broadcast %add3A_662 : i32 to vector<16xi32>
    %add3A_664 = arith.addi %iota3A, %add3A_663 : vector<16xi32>
    %get3A_665 = arith.constant 80 : index
    %get3A_666 = tpu.vector_load %arg7[%get3A_665] {strides = array<i32>} : memref<512xi32, #tpu.memory_space<vmem>>, vector<16xi32>,
    %and3A_667 = arith.constant 15 : i32
    %and3A_668 = vector.broadcast %and3A_667 : i32 to vector<16xi32>
    %and3A_669 = arith.andi %get3A_666, %and3A_668 : vector<16xi32>
    %get3A_670 = arith.constant 80 : index
    %get3A_671 = tpu.vector_load %arg8[%get3A_670] {strides = array<i32>} : memref<512xi32, #tpu.memory_space<vmem>>, vector<16xi32>,
    %and3A_672 = arith.constant 15 : i32
    %and3A_673 = vector.broadcast %and3A_672 : i32 to vector<16xi32>
    %and3A_674 = arith.andi %get3A_671, %and3A_673 : vector<16xi32>
    %gather3A_675 = tpu.vector_load_idx %arg11[%add3A_664, %and3A_669] : memref<512x16xf32, #tpu.memory_space<vmem>>[vector<16xi32>, vector<16xi32>], vector<16xf32>,
    %gather3A_676 = tpu.vector_load_idx %arg12[%add3A_664, %and3A_674] : memref<512x16xf32, #tpu.memory_space<vmem>>[vector<16xi32>, vector<16xi32>], vector<16xf32>,
    %add3A_677 = arith.addf %gather3A_675, %gather3A_676 : vector<16xf32>
    %swap3A_678 = arith.constant 80 : index
    %swap3A_679 = tpu.vector_load %arg13[%swap3A_678] {strides = array<i32>} : memref<512xf32, #tpu.memory_space<vmem>>, vector<16xf32>,
    tpu.vector_store %arg13[%swap3A_678], %add3A_677 {strides = array<i32>} : memref<512xf32, #tpu.memory_space<vmem>>, vector<16xf32>,
    %add3A_680 = arith.constant 96 : i32
    %add3A_681 = vector.broadcast %add3A_680 : i32 to vector<16xi32>
    %add3A_682 = arith.addi %iota3A, %add3A_681 : vector<16xi32>
    %get3A_683 = arith.constant 96 : index
    %get3A_684 = tpu.vector_load %arg7[%get3A_683] {strides = array<i32>} : memref<512xi32, #tpu.memory_space<vmem>>, vector<16xi32>,
    %and3A_685 = arith.constant 15 : i32
    %and3A_686 = vector.broadcast %and3A_685 : i32 to vector<16xi32>
    %and3A_687 = arith.andi %get3A_684, %and3A_686 : vector<16xi32>
    %get3A_688 = arith.constant 96 : index
    %get3A_689 = tpu.vector_load %arg8[%get3A_688] {strides = array<i32>} : memref<512xi32, #tpu.memory_space<vmem>>, vector<16xi32>,
    %and3A_690 = arith.constant 15 : i32
    %and3A_691 = vector.broadcast %and3A_690 : i32 to vector<16xi32>
    %and3A_692 = arith.andi %get3A_689, %and3A_691 : vector<16xi32>
    %gather3A_693 = tpu.vector_load_idx %arg11[%add3A_682, %and3A_687] : memref<512x16xf32, #tpu.memory_space<vmem>>[vector<16xi32>, vector<16xi32>], vector<16xf32>,
    %gather3A_694 = tpu.vector_load_idx %arg12[%add3A_682, %and3A_692] : memref<512x16xf32, #tpu.memory_space<vmem>>[vector<16xi32>, vector<16xi32>], vector<16xf32>,
    %add3A_695 = arith.addf %gather3A_693, %gather3A_694 : vector<16xf32>
    %swap3A_696 = arith.constant 96 : index
    %swap3A_697 = tpu.vector_load %arg13[%swap3A_696] {strides = array<i32>} : memref<512xf32, #tpu.memory_space<vmem>>, vector<16xf32>,
    tpu.vector_store %arg13[%swap3A_696], %add3A_695 {strides = array<i32>} : memref<512xf32, #tpu.memory_space<vmem>>, vector<16xf32>,
    %add3A_698 = arith.constant 112 : i32
    %add3A_699 = vector.broadcast %add3A_698 : i32 to vector<16xi32>
    %add3A_700 = arith.addi %iota3A, %add3A_699 : vector<16xi32>
    %get3A_701 = arith.constant 112 : index
    %get3A_702 = tpu.vector_load %arg7[%get3A_701] {strides = array<i32>} : memref<512xi32, #tpu.memory_space<vmem>>, vector<16xi32>,
    %and3A_703 = arith.constant 15 : i32
    %and3A_704 = vector.broadcast %and3A_703 : i32 to vector<16xi32>
    %and3A_705 = arith.andi %get3A_702, %and3A_704 : vector<16xi32>
    %get3A_706 = arith.constant 112 : index
    %get3A_707 = tpu.vector_load %arg8[%get3A_706] {strides = array<i32>} : memref<512xi32, #tpu.memory_space<vmem>>, vector<16xi32>,
    %and3A_708 = arith.constant 15 : i32
    %and3A_709 = vector.broadcast %and3A_708 : i32 to vector<16xi32>
    %and3A_710 = arith.andi %get3A_707, %and3A_709 : vector<16xi32>
    %gather3A_711 = tpu.vector_load_idx %arg11[%add3A_700, %and3A_705] : memref<512x16xf32, #tpu.memory_space<vmem>>[vector<16xi32>, vector<16xi32>], vector<16xf32>,
    %gather3A_712 = tpu.vector_load_idx %arg12[%add3A_700, %and3A_710] : memref<512x16xf32, #tpu.memory_space<vmem>>[vector<16xi32>, vector<16xi32>], vector<16xf32>,
    %add3A_713 = arith.addf %gather3A_711, %gather3A_712 : vector<16xf32>
    %swap3A_714 = arith.constant 112 : index
    %swap3A_715 = tpu.vector_load %arg13[%swap3A_714] {strides = array<i32>} : memref<512xf32, #tpu.memory_space<vmem>>, vector<16xf32>,
    tpu.vector_store %arg13[%swap3A_714], %add3A_713 {strides = array<i32>} : memref<512xf32, #tpu.memory_space<vmem>>, vector<16xf32>,
    %add3A_716 = arith.constant 128 : i32
    %add3A_717 = vector.broadcast %add3A_716 : i32 to vector<16xi32>
    %add3A_718 = arith.addi %iota3A, %add3A_717 : vector<16xi32>
    %get3A_719 = arith.constant 128 : index
    %get3A_720 = tpu.vector_load %arg7[%get3A_719] {strides = array<i32>} : memref<512xi32, #tpu.memory_space<vmem>>, vector<16xi32>,
    %and3A_721 = arith.constant 15 : i32
    %and3A_722 = vector.broadcast %and3A_721 : i32 to vector<16xi32>
    %and3A_723 = arith.andi %get3A_720, %and3A_722 : vector<16xi32>
    %get3A_724 = arith.constant 128 : index
    %get3A_725 = tpu.vector_load %arg8[%get3A_724] {strides = array<i32>} : memref<512xi32, #tpu.memory_space<vmem>>, vector<16xi32>,
    %and3A_726 = arith.constant 15 : i32
    %and3A_727 = vector.broadcast %and3A_726 : i32 to vector<16xi32>
    %and3A_728 = arith.andi %get3A_725, %and3A_727 : vector<16xi32>
    %gather3A_729 = tpu.vector_load_idx %arg11[%add3A_718, %and3A_723] : memref<512x16xf32, #tpu.memory_space<vmem>>[vector<16xi32>, vector<16xi32>], vector<16xf32>,
    %gather3A_730 = tpu.vector_load_idx %arg12[%add3A_718, %and3A_728] : memref<512x16xf32, #tpu.memory_space<vmem>>[vector<16xi32>, vector<16xi32>], vector<16xf32>,
    %add3A_731 = arith.addf %gather3A_729, %gather3A_730 : vector<16xf32>
    %swap3A_732 = arith.constant 128 : index
    %swap3A_733 = tpu.vector_load %arg13[%swap3A_732] {strides = array<i32>} : memref<512xf32, #tpu.memory_space<vmem>>, vector<16xf32>,
    tpu.vector_store %arg13[%swap3A_732], %add3A_731 {strides = array<i32>} : memref<512xf32, #tpu.memory_space<vmem>>, vector<16xf32>,
    %add3A_734 = arith.constant 144 : i32
    %add3A_735 = vector.broadcast %add3A_734 : i32 to vector<16xi32>
    %add3A_736 = arith.addi %iota3A, %add3A_735 : vector<16xi32>
    %get3A_737 = arith.constant 144 : index
    %get3A_738 = tpu.vector_load %arg7[%get3A_737] {strides = array<i32>} : memref<512xi32, #tpu.memory_space<vmem>>, vector<16xi32>,
    %and3A_739 = arith.constant 15 : i32
    %and3A_740 = vector.broadcast %and3A_739 : i32 to vector<16xi32>
    %and3A_741 = arith.andi %get3A_738, %and3A_740 : vector<16xi32>
    %get3A_742 = arith.constant 144 : index
    %get3A_743 = tpu.vector_load %arg8[%get3A_742] {strides = array<i32>} : memref<512xi32, #tpu.memory_space<vmem>>, vector<16xi32>,
    %and3A_744 = arith.constant 15 : i32
    %and3A_745 = vector.broadcast %and3A_744 : i32 to vector<16xi32>
    %and3A_746 = arith.andi %get3A_743, %and3A_745 : vector<16xi32>
    %gather3A_747 = tpu.vector_load_idx %arg11[%add3A_736, %and3A_741] : memref<512x16xf32, #tpu.memory_space<vmem>>[vector<16xi32>, vector<16xi32>], vector<16xf32>,
    %gather3A_748 = tpu.vector_load_idx %arg12[%add3A_736, %and3A_746] : memref<512x16xf32, #tpu.memory_space<vmem>>[vector<16xi32>, vector<16xi32>], vector<16xf32>,
    %add3A_749 = arith.addf %gather3A_747, %gather3A_748 : vector<16xf32>
    %swap3A_750 = arith.constant 144 : index
    %swap3A_751 = tpu.vector_load %arg13[%swap3A_750] {strides = array<i32>} : memref<512xf32, #tpu.memory_space<vmem>>, vector<16xf32>,
    tpu.vector_store %arg13[%swap3A_750], %add3A_749 {strides = array<i32>} : memref<512xf32, #tpu.memory_space<vmem>>, vector<16xf32>,
    %add3A_752 = arith.constant 160 : i32
    %add3A_753 = vector.broadcast %add3A_752 : i32 to vector<16xi32>
    %add3A_754 = arith.addi %iota3A, %add3A_753 : vector<16xi32>
    %get3A_755 = arith.constant 160 : index
    %get3A_756 = tpu.vector_load %arg7[%get3A_755] {strides = array<i32>} : memref<512xi32, #tpu.memory_space<vmem>>, vector<16xi32>,
    %and3A_757 = arith.constant 15 : i32
    %and3A_758 = vector.broadcast %and3A_757 : i32 to vector<16xi32>
    %and3A_759 = arith.andi %get3A_756, %and3A_758 : vector<16xi32>
    %get3A_760 = arith.constant 160 : index
    %get3A_761 = tpu.vector_load %arg8[%get3A_760] {strides = array<i32>} : memref<512xi32, #tpu.memory_space<vmem>>, vector<16xi32>,
    %and3A_762 = arith.constant 15 : i32
    %and3A_763 = vector.broadcast %and3A_762 : i32 to vector<16xi32>
    %and3A_764 = arith.andi %get3A_761, %and3A_763 : vector<16xi32>
    %gather3A_765 = tpu.vector_load_idx %arg11[%add3A_754, %and3A_759] : memref<512x16xf32, #tpu.memory_space<vmem>>[vector<16xi32>, vector<16xi32>], vector<16xf32>,
    %gather3A_766 = tpu.vector_load_idx %arg12[%add3A_754, %and3A_764] : memref<512x16xf32, #tpu.memory_space<vmem>>[vector<16xi32>, vector<16xi32>], vector<16xf32>,
    %add3A_767 = arith.addf %gather3A_765, %gather3A_766 : vector<16xf32>
    %swap3A_768 = arith.constant 160 : index
    %swap3A_769 = tpu.vector_load %arg13[%swap3A_768] {strides = array<i32>} : memref<512xf32, #tpu.memory_space<vmem>>, vector<16xf32>,
    tpu.vector_store %arg13[%swap3A_768], %add3A_767 {strides = array<i32>} : memref<512xf32, #tpu.memory_space<vmem>>, vector<16xf32>,
    %add3A_770 = arith.constant 176 : i32
    %add3A_771 = vector.broadcast %add3A_770 : i32 to vector<16xi32>
    %add3A_772 = arith.addi %iota3A, %add3A_771 : vector<16xi32>
    %get3A_773 = arith.constant 176 : index
    %get3A_774 = tpu.vector_load %arg7[%get3A_773] {strides = array<i32>} : memref<512xi32, #tpu.memory_space<vmem>>, vector<16xi32>,
    %and3A_775 = arith.constant 15 : i32
    %and3A_776 = vector.broadcast %and3A_775 : i32 to vector<16xi32>
    %and3A_777 = arith.andi %get3A_774, %and3A_776 : vector<16xi32>
    %get3A_778 = arith.constant 176 : index
    %get3A_779 = tpu.vector_load %arg8[%get3A_778] {strides = array<i32>} : memref<512xi32, #tpu.memory_space<vmem>>, vector<16xi32>,
    %and3A_780 = arith.constant 15 : i32
    %and3A_781 = vector.broadcast %and3A_780 : i32 to vector<16xi32>
    %and3A_782 = arith.andi %get3A_779, %and3A_781 : vector<16xi32>
    %gather3A_783 = tpu.vector_load_idx %arg11[%add3A_772, %and3A_777] : memref<512x16xf32, #tpu.memory_space<vmem>>[vector<16xi32>, vector<16xi32>], vector<16xf32>,
    %gather3A_784 = tpu.vector_load_idx %arg12[%add3A_772, %and3A_782] : memref<512x16xf32, #tpu.memory_space<vmem>>[vector<16xi32>, vector<16xi32>], vector<16xf32>,
    %add3A_785 = arith.addf %gather3A_783, %gather3A_784 : vector<16xf32>
    %swap3A_786 = arith.constant 176 : index
    %swap3A_787 = tpu.vector_load %arg13[%swap3A_786] {strides = array<i32>} : memref<512xf32, #tpu.memory_space<vmem>>, vector<16xf32>,
    tpu.vector_store %arg13[%swap3A_786], %add3A_785 {strides = array<i32>} : memref<512xf32, #tpu.memory_space<vmem>>, vector<16xf32>,
    %add3A_788 = arith.constant 192 : i32
    %add3A_789 = vector.broadcast %add3A_788 : i32 to vector<16xi32>
    %add3A_790 = arith.addi %iota3A, %add3A_789 : vector<16xi32>
    %get3A_791 = arith.constant 192 : index
    %get3A_792 = tpu.vector_load %arg7[%get3A_791] {strides = array<i32>} : memref<512xi32, #tpu.memory_space<vmem>>, vector<16xi32>,
    %and3A_793 = arith.constant 15 : i32
    %and3A_794 = vector.broadcast %and3A_793 : i32 to vector<16xi32>
    %and3A_795 = arith.andi %get3A_792, %and3A_794 : vector<16xi32>
    %get3A_796 = arith.constant 192 : index
    %get3A_797 = tpu.vector_load %arg8[%get3A_796] {strides = array<i32>} : memref<512xi32, #tpu.memory_space<vmem>>, vector<16xi32>,
    %and3A_798 = arith.constant 15 : i32
    %and3A_799 = vector.broadcast %and3A_798 : i32 to vector<16xi32>
    %and3A_800 = arith.andi %get3A_797, %and3A_799 : vector<16xi32>
    %gather3A_801 = tpu.vector_load_idx %arg11[%add3A_790, %and3A_795] : memref<512x16xf32, #tpu.memory_space<vmem>>[vector<16xi32>, vector<16xi32>], vector<16xf32>,
    %gather3A_802 = tpu.vector_load_idx %arg12[%add3A_790, %and3A_800] : memref<512x16xf32, #tpu.memory_space<vmem>>[vector<16xi32>, vector<16xi32>], vector<16xf32>,
    %add3A_803 = arith.addf %gather3A_801, %gather3A_802 : vector<16xf32>
    %swap3A_804 = arith.constant 192 : index
    %swap3A_805 = tpu.vector_load %arg13[%swap3A_804] {strides = array<i32>} : memref<512xf32, #tpu.memory_space<vmem>>, vector<16xf32>,
    tpu.vector_store %arg13[%swap3A_804], %add3A_803 {strides = array<i32>} : memref<512xf32, #tpu.memory_space<vmem>>, vector<16xf32>,
    %add3A_806 = arith.constant 208 : i32
    %add3A_807 = vector.broadcast %add3A_806 : i32 to vector<16xi32>
    %add3A_808 = arith.addi %iota3A, %add3A_807 : vector<16xi32>
    %get3A_809 = arith.constant 208 : index
    %get3A_810 = tpu.vector_load %arg7[%get3A_809] {strides = array<i32>} : memref<512xi32, #tpu.memory_space<vmem>>, vector<16xi32>,
    %and3A_811 = arith.constant 15 : i32
    %and3A_812 = vector.broadcast %and3A_811 : i32 to vector<16xi32>
    %and3A_813 = arith.andi %get3A_810, %and3A_812 : vector<16xi32>
    %get3A_814 = arith.constant 208 : index
    %get3A_815 = tpu.vector_load %arg8[%get3A_814] {strides = array<i32>} : memref<512xi32, #tpu.memory_space<vmem>>, vector<16xi32>,
    %and3A_816 = arith.constant 15 : i32
    %and3A_817 = vector.broadcast %and3A_816 : i32 to vector<16xi32>
    %and3A_818 = arith.andi %get3A_815, %and3A_817 : vector<16xi32>
    %gather3A_819 = tpu.vector_load_idx %arg11[%add3A_808, %and3A_813] : memref<512x16xf32, #tpu.memory_space<vmem>>[vector<16xi32>, vector<16xi32>], vector<16xf32>,
    %gather3A_820 = tpu.vector_load_idx %arg12[%add3A_808, %and3A_818] : memref<512x16xf32, #tpu.memory_space<vmem>>[vector<16xi32>, vector<16xi32>], vector<16xf32>,
    %add3A_821 = arith.addf %gather3A_819, %gather3A_820 : vector<16xf32>
    %swap3A_822 = arith.constant 208 : index
    %swap3A_823 = tpu.vector_load %arg13[%swap3A_822] {strides = array<i32>} : memref<512xf32, #tpu.memory_space<vmem>>, vector<16xf32>,
    tpu.vector_store %arg13[%swap3A_822], %add3A_821 {strides = array<i32>} : memref<512xf32, #tpu.memory_space<vmem>>, vector<16xf32>,
    %add3A_824 = arith.constant 224 : i32
    %add3A_825 = vector.broadcast %add3A_824 : i32 to vector<16xi32>
    %add3A_826 = arith.addi %iota3A, %add3A_825 : vector<16xi32>
    %get3A_827 = arith.constant 224 : index
    %get3A_828 = tpu.vector_load %arg7[%get3A_827] {strides = array<i32>} : memref<512xi32, #tpu.memory_space<vmem>>, vector<16xi32>,
    %and3A_829 = arith.constant 15 : i32
    %and3A_830 = vector.broadcast %and3A_829 : i32 to vector<16xi32>
    %and3A_831 = arith.andi %get3A_828, %and3A_830 : vector<16xi32>
    %get3A_832 = arith.constant 224 : index
    %get3A_833 = tpu.vector_load %arg8[%get3A_832] {strides = array<i32>} : memref<512xi32, #tpu.memory_space<vmem>>, vector<16xi32>,
    %and3A_834 = arith.constant 15 : i32
    %and3A_835 = vector.broadcast %and3A_834 : i32 to vector<16xi32>
    %and3A_836 = arith.andi %get3A_833, %and3A_835 : vector<16xi32>
    %gather3A_837 = tpu.vector_load_idx %arg11[%add3A_826, %and3A_831] : memref<512x16xf32, #tpu.memory_space<vmem>>[vector<16xi32>, vector<16xi32>], vector<16xf32>,
    %gather3A_838 = tpu.vector_load_idx %arg12[%add3A_826, %and3A_836] : memref<512x16xf32, #tpu.memory_space<vmem>>[vector<16xi32>, vector<16xi32>], vector<16xf32>,
    %add3A_839 = arith.addf %gather3A_837, %gather3A_838 : vector<16xf32>
    %swap3A_840 = arith.constant 224 : index
    %swap3A_841 = tpu.vector_load %arg13[%swap3A_840] {strides = array<i32>} : memref<512xf32, #tpu.memory_space<vmem>>, vector<16xf32>,
    tpu.vector_store %arg13[%swap3A_840], %add3A_839 {strides = array<i32>} : memref<512xf32, #tpu.memory_space<vmem>>, vector<16xf32>,
    %add3A_842 = arith.constant 240 : i32
    %add3A_843 = vector.broadcast %add3A_842 : i32 to vector<16xi32>
    %add3A_844 = arith.addi %iota3A, %add3A_843 : vector<16xi32>
    %get3A_845 = arith.constant 240 : index
    %get3A_846 = tpu.vector_load %arg7[%get3A_845] {strides = array<i32>} : memref<512xi32, #tpu.memory_space<vmem>>, vector<16xi32>,
    %and3A_847 = arith.constant 15 : i32
    %and3A_848 = vector.broadcast %and3A_847 : i32 to vector<16xi32>
    %and3A_849 = arith.andi %get3A_846, %and3A_848 : vector<16xi32>
    %get3A_850 = arith.constant 240 : index
    %get3A_851 = tpu.vector_load %arg8[%get3A_850] {strides = array<i32>} : memref<512xi32, #tpu.memory_space<vmem>>, vector<16xi32>,
    %and3A_852 = arith.constant 15 : i32
    %and3A_853 = vector.broadcast %and3A_852 : i32 to vector<16xi32>
    %and3A_854 = arith.andi %get3A_851, %and3A_853 : vector<16xi32>
    %gather3A_855 = tpu.vector_load_idx %arg11[%add3A_844, %and3A_849] : memref<512x16xf32, #tpu.memory_space<vmem>>[vector<16xi32>, vector<16xi32>], vector<16xf32>,
    %gather3A_856 = tpu.vector_load_idx %arg12[%add3A_844, %and3A_854] : memref<512x16xf32, #tpu.memory_space<vmem>>[vector<16xi32>, vector<16xi32>], vector<16xf32>,
    %add3A_857 = arith.addf %gather3A_855, %gather3A_856 : vector<16xf32>
    %swap3A_858 = arith.constant 240 : index
    %swap3A_859 = tpu.vector_load %arg13[%swap3A_858] {strides = array<i32>} : memref<512xf32, #tpu.memory_space<vmem>>, vector<16xf32>,
    tpu.vector_store %arg13[%swap3A_858], %add3A_857 {strides = array<i32>} : memref<512xf32, #tpu.memory_space<vmem>>, vector<16xf32>,
    %add3A_860 = arith.constant 256 : i32
    %add3A_861 = vector.broadcast %add3A_860 : i32 to vector<16xi32>
    %add3A_862 = arith.addi %iota3A, %add3A_861 : vector<16xi32>
    %get3A_863 = arith.constant 256 : index
    %get3A_864 = tpu.vector_load %arg7[%get3A_863] {strides = array<i32>} : memref<512xi32, #tpu.memory_space<vmem>>, vector<16xi32>,
    %and3A_865 = arith.constant 15 : i32
    %and3A_866 = vector.broadcast %and3A_865 : i32 to vector<16xi32>
    %and3A_867 = arith.andi %get3A_864, %and3A_866 : vector<16xi32>
    %get3A_868 = arith.constant 256 : index
    %get3A_869 = tpu.vector_load %arg8[%get3A_868] {strides = array<i32>} : memref<512xi32, #tpu.memory_space<vmem>>, vector<16xi32>,
    %and3A_870 = arith.constant 15 : i32
    %and3A_871 = vector.broadcast %and3A_870 : i32 to vector<16xi32>
    %and3A_872 = arith.andi %get3A_869, %and3A_871 : vector<16xi32>
    %gather3A_873 = tpu.vector_load_idx %arg11[%add3A_862, %and3A_867] : memref<512x16xf32, #tpu.memory_space<vmem>>[vector<16xi32>, vector<16xi32>], vector<16xf32>,
    %gather3A_874 = tpu.vector_load_idx %arg12[%add3A_862, %and3A_872] : memref<512x16xf32, #tpu.memory_space<vmem>>[vector<16xi32>, vector<16xi32>], vector<16xf32>,
    %add3A_875 = arith.addf %gather3A_873, %gather3A_874 : vector<16xf32>
    %swap3A_876 = arith.constant 256 : index
    %swap3A_877 = tpu.vector_load %arg13[%swap3A_876] {strides = array<i32>} : memref<512xf32, #tpu.memory_space<vmem>>, vector<16xf32>,
    tpu.vector_store %arg13[%swap3A_876], %add3A_875 {strides = array<i32>} : memref<512xf32, #tpu.memory_space<vmem>>, vector<16xf32>,
    %add3A_878 = arith.constant 272 : i32
    %add3A_879 = vector.broadcast %add3A_878 : i32 to vector<16xi32>
    %add3A_880 = arith.addi %iota3A, %add3A_879 : vector<16xi32>
    %get3A_881 = arith.constant 272 : index
    %get3A_882 = tpu.vector_load %arg7[%get3A_881] {strides = array<i32>} : memref<512xi32, #tpu.memory_space<vmem>>, vector<16xi32>,
    %and3A_883 = arith.constant 15 : i32
    %and3A_884 = vector.broadcast %and3A_883 : i32 to vector<16xi32>
    %and3A_885 = arith.andi %get3A_882, %and3A_884 : vector<16xi32>
    %get3A_886 = arith.constant 272 : index
    %get3A_887 = tpu.vector_load %arg8[%get3A_886] {strides = array<i32>} : memref<512xi32, #tpu.memory_space<vmem>>, vector<16xi32>,
    %and3A_888 = arith.constant 15 : i32
    %and3A_889 = vector.broadcast %and3A_888 : i32 to vector<16xi32>
    %and3A_890 = arith.andi %get3A_887, %and3A_889 : vector<16xi32>
    %gather3A_891 = tpu.vector_load_idx %arg11[%add3A_880, %and3A_885] : memref<512x16xf32, #tpu.memory_space<vmem>>[vector<16xi32>, vector<16xi32>], vector<16xf32>,
    %gather3A_892 = tpu.vector_load_idx %arg12[%add3A_880, %and3A_890] : memref<512x16xf32, #tpu.memory_space<vmem>>[vector<16xi32>, vector<16xi32>], vector<16xf32>,
    %add3A_893 = arith.addf %gather3A_891, %gather3A_892 : vector<16xf32>
    %swap3A_894 = arith.constant 272 : index
    %swap3A_895 = tpu.vector_load %arg13[%swap3A_894] {strides = array<i32>} : memref<512xf32, #tpu.memory_space<vmem>>, vector<16xf32>,
    tpu.vector_store %arg13[%swap3A_894], %add3A_893 {strides = array<i32>} : memref<512xf32, #tpu.memory_space<vmem>>, vector<16xf32>,
    %add3A_896 = arith.constant 288 : i32
    %add3A_897 = vector.broadcast %add3A_896 : i32 to vector<16xi32>
    %add3A_898 = arith.addi %iota3A, %add3A_897 : vector<16xi32>
    %get3A_899 = arith.constant 288 : index
    %get3A_900 = tpu.vector_load %arg7[%get3A_899] {strides = array<i32>} : memref<512xi32, #tpu.memory_space<vmem>>, vector<16xi32>,
    %and3A_901 = arith.constant 15 : i32
    %and3A_902 = vector.broadcast %and3A_901 : i32 to vector<16xi32>
    %and3A_903 = arith.andi %get3A_900, %and3A_902 : vector<16xi32>
    %get3A_904 = arith.constant 288 : index
    %get3A_905 = tpu.vector_load %arg8[%get3A_904] {strides = array<i32>} : memref<512xi32, #tpu.memory_space<vmem>>, vector<16xi32>,
    %and3A_906 = arith.constant 15 : i32
    %and3A_907 = vector.broadcast %and3A_906 : i32 to vector<16xi32>
    %and3A_908 = arith.andi %get3A_905, %and3A_907 : vector<16xi32>
    %gather3A_909 = tpu.vector_load_idx %arg11[%add3A_898, %and3A_903] : memref<512x16xf32, #tpu.memory_space<vmem>>[vector<16xi32>, vector<16xi32>], vector<16xf32>,
    %gather3A_910 = tpu.vector_load_idx %arg12[%add3A_898, %and3A_908] : memref<512x16xf32, #tpu.memory_space<vmem>>[vector<16xi32>, vector<16xi32>], vector<16xf32>,
    %add3A_911 = arith.addf %gather3A_909, %gather3A_910 : vector<16xf32>
    %swap3A_912 = arith.constant 288 : index
    %swap3A_913 = tpu.vector_load %arg13[%swap3A_912] {strides = array<i32>} : memref<512xf32, #tpu.memory_space<vmem>>, vector<16xf32>,
    tpu.vector_store %arg13[%swap3A_912], %add3A_911 {strides = array<i32>} : memref<512xf32, #tpu.memory_space<vmem>>, vector<16xf32>,
    %add3A_914 = arith.constant 304 : i32
    %add3A_915 = vector.broadcast %add3A_914 : i32 to vector<16xi32>
    %add3A_916 = arith.addi %iota3A, %add3A_915 : vector<16xi32>
    %get3A_917 = arith.constant 304 : index
    %get3A_918 = tpu.vector_load %arg7[%get3A_917] {strides = array<i32>} : memref<512xi32, #tpu.memory_space<vmem>>, vector<16xi32>,
    %and3A_919 = arith.constant 15 : i32
    %and3A_920 = vector.broadcast %and3A_919 : i32 to vector<16xi32>
    %and3A_921 = arith.andi %get3A_918, %and3A_920 : vector<16xi32>
    %get3A_922 = arith.constant 304 : index
    %get3A_923 = tpu.vector_load %arg8[%get3A_922] {strides = array<i32>} : memref<512xi32, #tpu.memory_space<vmem>>, vector<16xi32>,
    %and3A_924 = arith.constant 15 : i32
    %and3A_925 = vector.broadcast %and3A_924 : i32 to vector<16xi32>
    %and3A_926 = arith.andi %get3A_923, %and3A_925 : vector<16xi32>
    %gather3A_927 = tpu.vector_load_idx %arg11[%add3A_916, %and3A_921] : memref<512x16xf32, #tpu.memory_space<vmem>>[vector<16xi32>, vector<16xi32>], vector<16xf32>,
    %gather3A_928 = tpu.vector_load_idx %arg12[%add3A_916, %and3A_926] : memref<512x16xf32, #tpu.memory_space<vmem>>[vector<16xi32>, vector<16xi32>], vector<16xf32>,
    %add3A_929 = arith.addf %gather3A_927, %gather3A_928 : vector<16xf32>
    %swap3A_930 = arith.constant 304 : index
    %swap3A_931 = tpu.vector_load %arg13[%swap3A_930] {strides = array<i32>} : memref<512xf32, #tpu.memory_space<vmem>>, vector<16xf32>,
    tpu.vector_store %arg13[%swap3A_930], %add3A_929 {strides = array<i32>} : memref<512xf32, #tpu.memory_space<vmem>>, vector<16xf32>,
    %add3A_932 = arith.constant 320 : i32
    %add3A_933 = vector.broadcast %add3A_932 : i32 to vector<16xi32>
    %add3A_934 = arith.addi %iota3A, %add3A_933 : vector<16xi32>
    %get3A_935 = arith.constant 320 : index
    %get3A_936 = tpu.vector_load %arg7[%get3A_935] {strides = array<i32>} : memref<512xi32, #tpu.memory_space<vmem>>, vector<16xi32>,
    %and3A_937 = arith.constant 15 : i32
    %and3A_938 = vector.broadcast %and3A_937 : i32 to vector<16xi32>
    %and3A_939 = arith.andi %get3A_936, %and3A_938 : vector<16xi32>
    %get3A_940 = arith.constant 320 : index
    %get3A_941 = tpu.vector_load %arg8[%get3A_940] {strides = array<i32>} : memref<512xi32, #tpu.memory_space<vmem>>, vector<16xi32>,
    %and3A_942 = arith.constant 15 : i32
    %and3A_943 = vector.broadcast %and3A_942 : i32 to vector<16xi32>
    %and3A_944 = arith.andi %get3A_941, %and3A_943 : vector<16xi32>
    %gather3A_945 = tpu.vector_load_idx %arg11[%add3A_934, %and3A_939] : memref<512x16xf32, #tpu.memory_space<vmem>>[vector<16xi32>, vector<16xi32>], vector<16xf32>,
    %gather3A_946 = tpu.vector_load_idx %arg12[%add3A_934, %and3A_944] : memref<512x16xf32, #tpu.memory_space<vmem>>[vector<16xi32>, vector<16xi32>], vector<16xf32>,
    %add3A_947 = arith.addf %gather3A_945, %gather3A_946 : vector<16xf32>
    %swap3A_948 = arith.constant 320 : index
    %swap3A_949 = tpu.vector_load %arg13[%swap3A_948] {strides = array<i32>} : memref<512xf32, #tpu.memory_space<vmem>>, vector<16xf32>,
    tpu.vector_store %arg13[%swap3A_948], %add3A_947 {strides = array<i32>} : memref<512xf32, #tpu.memory_space<vmem>>, vector<16xf32>,
    %add3A_950 = arith.constant 336 : i32
    %add3A_951 = vector.broadcast %add3A_950 : i32 to vector<16xi32>
    %add3A_952 = arith.addi %iota3A, %add3A_951 : vector<16xi32>
    %get3A_953 = arith.constant 336 : index
    %get3A_954 = tpu.vector_load %arg7[%get3A_953] {strides = array<i32>} : memref<512xi32, #tpu.memory_space<vmem>>, vector<16xi32>,
    %and3A_955 = arith.constant 15 : i32
    %and3A_956 = vector.broadcast %and3A_955 : i32 to vector<16xi32>
    %and3A_957 = arith.andi %get3A_954, %and3A_956 : vector<16xi32>
    %get3A_958 = arith.constant 336 : index
    %get3A_959 = tpu.vector_load %arg8[%get3A_958] {strides = array<i32>} : memref<512xi32, #tpu.memory_space<vmem>>, vector<16xi32>,
    %and3A_960 = arith.constant 15 : i32
    %and3A_961 = vector.broadcast %and3A_960 : i32 to vector<16xi32>
    %and3A_962 = arith.andi %get3A_959, %and3A_961 : vector<16xi32>
    %gather3A_963 = tpu.vector_load_idx %arg11[%add3A_952, %and3A_957] : memref<512x16xf32, #tpu.memory_space<vmem>>[vector<16xi32>, vector<16xi32>], vector<16xf32>,
    %gather3A_964 = tpu.vector_load_idx %arg12[%add3A_952, %and3A_962] : memref<512x16xf32, #tpu.memory_space<vmem>>[vector<16xi32>, vector<16xi32>], vector<16xf32>,
    %add3A_965 = arith.addf %gather3A_963, %gather3A_964 : vector<16xf32>
    %swap3A_966 = arith.constant 336 : index
    %swap3A_967 = tpu.vector_load %arg13[%swap3A_966] {strides = array<i32>} : memref<512xf32, #tpu.memory_space<vmem>>, vector<16xf32>,
    tpu.vector_store %arg13[%swap3A_966], %add3A_965 {strides = array<i32>} : memref<512xf32, #tpu.memory_space<vmem>>, vector<16xf32>,
    %add3A_968 = arith.constant 352 : i32
    %add3A_969 = vector.broadcast %add3A_968 : i32 to vector<16xi32>
    %add3A_970 = arith.addi %iota3A, %add3A_969 : vector<16xi32>
    %get3A_971 = arith.constant 352 : index
    %get3A_972 = tpu.vector_load %arg7[%get3A_971] {strides = array<i32>} : memref<512xi32, #tpu.memory_space<vmem>>, vector<16xi32>,
    %and3A_973 = arith.constant 15 : i32
    %and3A_974 = vector.broadcast %and3A_973 : i32 to vector<16xi32>
    %and3A_975 = arith.andi %get3A_972, %and3A_974 : vector<16xi32>
    %get3A_976 = arith.constant 352 : index
    %get3A_977 = tpu.vector_load %arg8[%get3A_976] {strides = array<i32>} : memref<512xi32, #tpu.memory_space<vmem>>, vector<16xi32>,
    %and3A_978 = arith.constant 15 : i32
    %and3A_979 = vector.broadcast %and3A_978 : i32 to vector<16xi32>
    %and3A_980 = arith.andi %get3A_977, %and3A_979 : vector<16xi32>
    %gather3A_981 = tpu.vector_load_idx %arg11[%add3A_970, %and3A_975] : memref<512x16xf32, #tpu.memory_space<vmem>>[vector<16xi32>, vector<16xi32>], vector<16xf32>,
    %gather3A_982 = tpu.vector_load_idx %arg12[%add3A_970, %and3A_980] : memref<512x16xf32, #tpu.memory_space<vmem>>[vector<16xi32>, vector<16xi32>], vector<16xf32>,
    %add3A_983 = arith.addf %gather3A_981, %gather3A_982 : vector<16xf32>
    %swap3A_984 = arith.constant 352 : index
    %swap3A_985 = tpu.vector_load %arg13[%swap3A_984] {strides = array<i32>} : memref<512xf32, #tpu.memory_space<vmem>>, vector<16xf32>,
    tpu.vector_store %arg13[%swap3A_984], %add3A_983 {strides = array<i32>} : memref<512xf32, #tpu.memory_space<vmem>>, vector<16xf32>,
    %add3A_986 = arith.constant 368 : i32
    %add3A_987 = vector.broadcast %add3A_986 : i32 to vector<16xi32>
    %add3A_988 = arith.addi %iota3A, %add3A_987 : vector<16xi32>
    %get3A_989 = arith.constant 368 : index
    %get3A_990 = tpu.vector_load %arg7[%get3A_989] {strides = array<i32>} : memref<512xi32, #tpu.memory_space<vmem>>, vector<16xi32>,
    %and3A_991 = arith.constant 15 : i32
    %and3A_992 = vector.broadcast %and3A_991 : i32 to vector<16xi32>
    %and3A_993 = arith.andi %get3A_990, %and3A_992 : vector<16xi32>
    %get3A_994 = arith.constant 368 : index
    %get3A_995 = tpu.vector_load %arg8[%get3A_994] {strides = array<i32>} : memref<512xi32, #tpu.memory_space<vmem>>, vector<16xi32>,
    %and3A_996 = arith.constant 15 : i32
    %and3A_997 = vector.broadcast %and3A_996 : i32 to vector<16xi32>
    %and3A_998 = arith.andi %get3A_995, %and3A_997 : vector<16xi32>
    %gather3A_999 = tpu.vector_load_idx %arg11[%add3A_988, %and3A_993] : memref<512x16xf32, #tpu.memory_space<vmem>>[vector<16xi32>, vector<16xi32>], vector<16xf32>,
    %gather3A_1000 = tpu.vector_load_idx %arg12[%add3A_988, %and3A_998] : memref<512x16xf32, #tpu.memory_space<vmem>>[vector<16xi32>, vector<16xi32>], vector<16xf32>,
    %add3A_1001 = arith.addf %gather3A_999, %gather3A_1000 : vector<16xf32>
    %swap3A_1002 = arith.constant 368 : index
    %swap3A_1003 = tpu.vector_load %arg13[%swap3A_1002] {strides = array<i32>} : memref<512xf32, #tpu.memory_space<vmem>>, vector<16xf32>,
    tpu.vector_store %arg13[%swap3A_1002], %add3A_1001 {strides = array<i32>} : memref<512xf32, #tpu.memory_space<vmem>>, vector<16xf32>,
    %add3A_1004 = arith.constant 384 : i32
    %add3A_1005 = vector.broadcast %add3A_1004 : i32 to vector<16xi32>
    %add3A_1006 = arith.addi %iota3A, %add3A_1005 : vector<16xi32>
    %get3A_1007 = arith.constant 384 : index
    %get3A_1008 = tpu.vector_load %arg7[%get3A_1007] {strides = array<i32>} : memref<512xi32, #tpu.memory_space<vmem>>, vector<16xi32>,
    %and3A_1009 = arith.constant 15 : i32
    %and3A_1010 = vector.broadcast %and3A_1009 : i32 to vector<16xi32>
    %and3A_1011 = arith.andi %get3A_1008, %and3A_1010 : vector<16xi32>
    %get3A_1012 = arith.constant 384 : index
    %get3A_1013 = tpu.vector_load %arg8[%get3A_1012] {strides = array<i32>} : memref<512xi32, #tpu.memory_space<vmem>>, vector<16xi32>,
    %and3A_1014 = arith.constant 15 : i32
    %and3A_1015 = vector.broadcast %and3A_1014 : i32 to vector<16xi32>
    %and3A_1016 = arith.andi %get3A_1013, %and3A_1015 : vector<16xi32>
    %gather3A_1017 = tpu.vector_load_idx %arg11[%add3A_1006, %and3A_1011] : memref<512x16xf32, #tpu.memory_space<vmem>>[vector<16xi32>, vector<16xi32>], vector<16xf32>,
    %gather3A_1018 = tpu.vector_load_idx %arg12[%add3A_1006, %and3A_1016] : memref<512x16xf32, #tpu.memory_space<vmem>>[vector<16xi32>, vector<16xi32>], vector<16xf32>,
    %add3A_1019 = arith.addf %gather3A_1017, %gather3A_1018 : vector<16xf32>
    %swap3A_1020 = arith.constant 384 : index
    %swap3A_1021 = tpu.vector_load %arg13[%swap3A_1020] {strides = array<i32>} : memref<512xf32, #tpu.memory_space<vmem>>, vector<16xf32>,
    tpu.vector_store %arg13[%swap3A_1020], %add3A_1019 {strides = array<i32>} : memref<512xf32, #tpu.memory_space<vmem>>, vector<16xf32>,
    %add3A_1022 = arith.constant 400 : i32
    %add3A_1023 = vector.broadcast %add3A_1022 : i32 to vector<16xi32>
    %add3A_1024 = arith.addi %iota3A, %add3A_1023 : vector<16xi32>
    %get3A_1025 = arith.constant 400 : index
    %get3A_1026 = tpu.vector_load %arg7[%get3A_1025] {strides = array<i32>} : memref<512xi32, #tpu.memory_space<vmem>>, vector<16xi32>,
    %and3A_1027 = arith.constant 15 : i32
    %and3A_1028 = vector.broadcast %and3A_1027 : i32 to vector<16xi32>
    %and3A_1029 = arith.andi %get3A_1026, %and3A_1028 : vector<16xi32>
    %get3A_1030 = arith.constant 400 : index
    %get3A_1031 = tpu.vector_load %arg8[%get3A_1030] {strides = array<i32>} : memref<512xi32, #tpu.memory_space<vmem>>, vector<16xi32>,
    %and3A_1032 = arith.constant 15 : i32
    %and3A_1033 = vector.broadcast %and3A_1032 : i32 to vector<16xi32>
    %and3A_1034 = arith.andi %get3A_1031, %and3A_1033 : vector<16xi32>
    %gather3A_1035 = tpu.vector_load_idx %arg11[%add3A_1024, %and3A_1029] : memref<512x16xf32, #tpu.memory_space<vmem>>[vector<16xi32>, vector<16xi32>], vector<16xf32>,
    %gather3A_1036 = tpu.vector_load_idx %arg12[%add3A_1024, %and3A_1034] : memref<512x16xf32, #tpu.memory_space<vmem>>[vector<16xi32>, vector<16xi32>], vector<16xf32>,
    %add3A_1037 = arith.addf %gather3A_1035, %gather3A_1036 : vector<16xf32>
    %swap3A_1038 = arith.constant 400 : index
    %swap3A_1039 = tpu.vector_load %arg13[%swap3A_1038] {strides = array<i32>} : memref<512xf32, #tpu.memory_space<vmem>>, vector<16xf32>,
    tpu.vector_store %arg13[%swap3A_1038], %add3A_1037 {strides = array<i32>} : memref<512xf32, #tpu.memory_space<vmem>>, vector<16xf32>,
    %add3A_1040 = arith.constant 416 : i32
    %add3A_1041 = vector.broadcast %add3A_1040 : i32 to vector<16xi32>
    %add3A_1042 = arith.addi %iota3A, %add3A_1041 : vector<16xi32>
    %get3A_1043 = arith.constant 416 : index
    %get3A_1044 = tpu.vector_load %arg7[%get3A_1043] {strides = array<i32>} : memref<512xi32, #tpu.memory_space<vmem>>, vector<16xi32>,
    %and3A_1045 = arith.constant 15 : i32
    %and3A_1046 = vector.broadcast %and3A_1045 : i32 to vector<16xi32>
    %and3A_1047 = arith.andi %get3A_1044, %and3A_1046 : vector<16xi32>
    %get3A_1048 = arith.constant 416 : index
    %get3A_1049 = tpu.vector_load %arg8[%get3A_1048] {strides = array<i32>} : memref<512xi32, #tpu.memory_space<vmem>>, vector<16xi32>,
    %and3A_1050 = arith.constant 15 : i32
    %and3A_1051 = vector.broadcast %and3A_1050 : i32 to vector<16xi32>
    %and3A_1052 = arith.andi %get3A_1049, %and3A_1051 : vector<16xi32>
    %gather3A_1053 = tpu.vector_load_idx %arg11[%add3A_1042, %and3A_1047] : memref<512x16xf32, #tpu.memory_space<vmem>>[vector<16xi32>, vector<16xi32>], vector<16xf32>,
    %gather3A_1054 = tpu.vector_load_idx %arg12[%add3A_1042, %and3A_1052] : memref<512x16xf32, #tpu.memory_space<vmem>>[vector<16xi32>, vector<16xi32>], vector<16xf32>,
    %add3A_1055 = arith.addf %gather3A_1053, %gather3A_1054 : vector<16xf32>
    %swap3A_1056 = arith.constant 416 : index
    %swap3A_1057 = tpu.vector_load %arg13[%swap3A_1056] {strides = array<i32>} : memref<512xf32, #tpu.memory_space<vmem>>, vector<16xf32>,
    tpu.vector_store %arg13[%swap3A_1056], %add3A_1055 {strides = array<i32>} : memref<512xf32, #tpu.memory_space<vmem>>, vector<16xf32>,
    %add3A_1058 = arith.constant 432 : i32
    %add3A_1059 = vector.broadcast %add3A_1058 : i32 to vector<16xi32>
    %add3A_1060 = arith.addi %iota3A, %add3A_1059 : vector<16xi32>
    %get3A_1061 = arith.constant 432 : index
    %get3A_1062 = tpu.vector_load %arg7[%get3A_1061] {strides = array<i32>} : memref<512xi32, #tpu.memory_space<vmem>>, vector<16xi32>,
    %and3A_1063 = arith.constant 15 : i32
    %and3A_1064 = vector.broadcast %and3A_1063 : i32 to vector<16xi32>
    %and3A_1065 = arith.andi %get3A_1062, %and3A_1064 : vector<16xi32>
    %get3A_1066 = arith.constant 432 : index
    %get3A_1067 = tpu.vector_load %arg8[%get3A_1066] {strides = array<i32>} : memref<512xi32, #tpu.memory_space<vmem>>, vector<16xi32>,
    %and3A_1068 = arith.constant 15 : i32
    %and3A_1069 = vector.broadcast %and3A_1068 : i32 to vector<16xi32>
    %and3A_1070 = arith.andi %get3A_1067, %and3A_1069 : vector<16xi32>
    %gather3A_1071 = tpu.vector_load_idx %arg11[%add3A_1060, %and3A_1065] : memref<512x16xf32, #tpu.memory_space<vmem>>[vector<16xi32>, vector<16xi32>], vector<16xf32>,
    %gather3A_1072 = tpu.vector_load_idx %arg12[%add3A_1060, %and3A_1070] : memref<512x16xf32, #tpu.memory_space<vmem>>[vector<16xi32>, vector<16xi32>], vector<16xf32>,
    %add3A_1073 = arith.addf %gather3A_1071, %gather3A_1072 : vector<16xf32>
    %swap3A_1074 = arith.constant 432 : index
    %swap3A_1075 = tpu.vector_load %arg13[%swap3A_1074] {strides = array<i32>} : memref<512xf32, #tpu.memory_space<vmem>>, vector<16xf32>,
    tpu.vector_store %arg13[%swap3A_1074], %add3A_1073 {strides = array<i32>} : memref<512xf32, #tpu.memory_space<vmem>>, vector<16xf32>,
    %add3A_1076 = arith.constant 448 : i32
    %add3A_1077 = vector.broadcast %add3A_1076 : i32 to vector<16xi32>
    %add3A_1078 = arith.addi %iota3A, %add3A_1077 : vector<16xi32>
    %get3A_1079 = arith.constant 448 : index
    %get3A_1080 = tpu.vector_load %arg7[%get3A_1079] {strides = array<i32>} : memref<512xi32, #tpu.memory_space<vmem>>, vector<16xi32>,
    %and3A_1081 = arith.constant 15 : i32
    %and3A_1082 = vector.broadcast %and3A_1081 : i32 to vector<16xi32>
    %and3A_1083 = arith.andi %get3A_1080, %and3A_1082 : vector<16xi32>
    %get3A_1084 = arith.constant 448 : index
    %get3A_1085 = tpu.vector_load %arg8[%get3A_1084] {strides = array<i32>} : memref<512xi32, #tpu.memory_space<vmem>>, vector<16xi32>,
    %and3A_1086 = arith.constant 15 : i32
    %and3A_1087 = vector.broadcast %and3A_1086 : i32 to vector<16xi32>
    %and3A_1088 = arith.andi %get3A_1085, %and3A_1087 : vector<16xi32>
    %gather3A_1089 = tpu.vector_load_idx %arg11[%add3A_1078, %and3A_1083] : memref<512x16xf32, #tpu.memory_space<vmem>>[vector<16xi32>, vector<16xi32>], vector<16xf32>,
    %gather3A_1090 = tpu.vector_load_idx %arg12[%add3A_1078, %and3A_1088] : memref<512x16xf32, #tpu.memory_space<vmem>>[vector<16xi32>, vector<16xi32>], vector<16xf32>,
    %add3A_1091 = arith.addf %gather3A_1089, %gather3A_1090 : vector<16xf32>
    %swap3A_1092 = arith.constant 448 : index
    %swap3A_1093 = tpu.vector_load %arg13[%swap3A_1092] {strides = array<i32>} : memref<512xf32, #tpu.memory_space<vmem>>, vector<16xf32>,
    tpu.vector_store %arg13[%swap3A_1092], %add3A_1091 {strides = array<i32>} : memref<512xf32, #tpu.memory_space<vmem>>, vector<16xf32>,
    %add3A_1094 = arith.constant 464 : i32
    %add3A_1095 = vector.broadcast %add3A_1094 : i32 to vector<16xi32>
    %add3A_1096 = arith.addi %iota3A, %add3A_1095 : vector<16xi32>
    %get3A_1097 = arith.constant 464 : index
    %get3A_1098 = tpu.vector_load %arg7[%get3A_1097] {strides = array<i32>} : memref<512xi32, #tpu.memory_space<vmem>>, vector<16xi32>,
    %and3A_1099 = arith.constant 15 : i32
    %and3A_1100 = vector.broadcast %and3A_1099 : i32 to vector<16xi32>
    %and3A_1101 = arith.andi %get3A_1098, %and3A_1100 : vector<16xi32>
    %get3A_1102 = arith.constant 464 : index
    %get3A_1103 = tpu.vector_load %arg8[%get3A_1102] {strides = array<i32>} : memref<512xi32, #tpu.memory_space<vmem>>, vector<16xi32>,
    %and3A_1104 = arith.constant 15 : i32
    %and3A_1105 = vector.broadcast %and3A_1104 : i32 to vector<16xi32>
    %and3A_1106 = arith.andi %get3A_1103, %and3A_1105 : vector<16xi32>
    %gather3A_1107 = tpu.vector_load_idx %arg11[%add3A_1096, %and3A_1101] : memref<512x16xf32, #tpu.memory_space<vmem>>[vector<16xi32>, vector<16xi32>], vector<16xf32>,
    %gather3A_1108 = tpu.vector_load_idx %arg12[%add3A_1096, %and3A_1106] : memref<512x16xf32, #tpu.memory_space<vmem>>[vector<16xi32>, vector<16xi32>], vector<16xf32>,
    %add3A_1109 = arith.addf %gather3A_1107, %gather3A_1108 : vector<16xf32>
    %swap3A_1110 = arith.constant 464 : index
    %swap3A_1111 = tpu.vector_load %arg13[%swap3A_1110] {strides = array<i32>} : memref<512xf32, #tpu.memory_space<vmem>>, vector<16xf32>,
    tpu.vector_store %arg13[%swap3A_1110], %add3A_1109 {strides = array<i32>} : memref<512xf32, #tpu.memory_space<vmem>>, vector<16xf32>,
    %add3A_1112 = arith.constant 480 : i32
    %add3A_1113 = vector.broadcast %add3A_1112 : i32 to vector<16xi32>
    %add3A_1114 = arith.addi %iota3A, %add3A_1113 : vector<16xi32>
    %get3A_1115 = arith.constant 480 : index
    %get3A_1116 = tpu.vector_load %arg7[%get3A_1115] {strides = array<i32>} : memref<512xi32, #tpu.memory_space<vmem>>, vector<16xi32>,
    %and3A_1117 = arith.constant 15 : i32
    %and3A_1118 = vector.broadcast %and3A_1117 : i32 to vector<16xi32>
    %and3A_1119 = arith.andi %get3A_1116, %and3A_1118 : vector<16xi32>
    %get3A_1120 = arith.constant 480 : index
    %get3A_1121 = tpu.vector_load %arg8[%get3A_1120] {strides = array<i32>} : memref<512xi32, #tpu.memory_space<vmem>>, vector<16xi32>,
    %and3A_1122 = arith.constant 15 : i32
    %and3A_1123 = vector.broadcast %and3A_1122 : i32 to vector<16xi32>
    %and3A_1124 = arith.andi %get3A_1121, %and3A_1123 : vector<16xi32>
    %gather3A_1125 = tpu.vector_load_idx %arg11[%add3A_1114, %and3A_1119] : memref<512x16xf32, #tpu.memory_space<vmem>>[vector<16xi32>, vector<16xi32>], vector<16xf32>,
    %gather3A_1126 = tpu.vector_load_idx %arg12[%add3A_1114, %and3A_1124] : memref<512x16xf32, #tpu.memory_space<vmem>>[vector<16xi32>, vector<16xi32>], vector<16xf32>,
    %add3A_1127 = arith.addf %gather3A_1125, %gather3A_1126 : vector<16xf32>
    %swap3A_1128 = arith.constant 480 : index
    %swap3A_1129 = tpu.vector_load %arg13[%swap3A_1128] {strides = array<i32>} : memref<512xf32, #tpu.memory_space<vmem>>, vector<16xf32>,
    tpu.vector_store %arg13[%swap3A_1128], %add3A_1127 {strides = array<i32>} : memref<512xf32, #tpu.memory_space<vmem>>, vector<16xf32>,
    %add3A_1130 = arith.constant 496 : i32
    %add3A_1131 = vector.broadcast %add3A_1130 : i32 to vector<16xi32>
    %add3A_1132 = arith.addi %iota3A, %add3A_1131 : vector<16xi32>
    %get3A_1133 = arith.constant 496 : index
    %get3A_1134 = tpu.vector_load %arg7[%get3A_1133] {strides = array<i32>} : memref<512xi32, #tpu.memory_space<vmem>>, vector<16xi32>,
    %and3A_1135 = arith.constant 15 : i32
    %and3A_1136 = vector.broadcast %and3A_1135 : i32 to vector<16xi32>
    %and3A_1137 = arith.andi %get3A_1134, %and3A_1136 : vector<16xi32>
    %get3A_1138 = arith.constant 496 : index
    %get3A_1139 = tpu.vector_load %arg8[%get3A_1138] {strides = array<i32>} : memref<512xi32, #tpu.memory_space<vmem>>, vector<16xi32>,
    %and3A_1140 = arith.constant 15 : i32
    %and3A_1141 = vector.broadcast %and3A_1140 : i32 to vector<16xi32>
    %and3A_1142 = arith.andi %get3A_1139, %and3A_1141 : vector<16xi32>
    %gather3A_1143 = tpu.vector_load_idx %arg11[%add3A_1132, %and3A_1137] : memref<512x16xf32, #tpu.memory_space<vmem>>[vector<16xi32>, vector<16xi32>], vector<16xf32>,
    %gather3A_1144 = tpu.vector_load_idx %arg12[%add3A_1132, %and3A_1142] : memref<512x16xf32, #tpu.memory_space<vmem>>[vector<16xi32>, vector<16xi32>], vector<16xf32>,
    %add3A_1145 = arith.addf %gather3A_1143, %gather3A_1144 : vector<16xf32>
    %swap3A_1146 = arith.constant 496 : index
    %swap3A_1147 = tpu.vector_load %arg13[%swap3A_1146] {strides = array<i32>} : memref<512xf32, #tpu.memory_space<vmem>>, vector<16xf32>,
    tpu.vector_store %arg13[%swap3A_1146], %add3A_1145 {strides = array<i32>} : memref<512xf32, #tpu.memory_space<vmem>>, vector<16xf32>,
    "tpu.region"() ({
      %run_scoped3A = tpu.sem_alloc : memref<!tpu.dma_semaphore, #tpu.memory_space<semaphore_mem>>
      %dma_start3A_1148 = tpu.memref_slice %arg6[%mul3A_2] : memref<16384xf32, #tpu.memory_space<hbm>> -> memref<512xf32, #tpu.memory_space<hbm>>
      %dma_start3A_1149 = tpu.memref_slice %arg6[%mul3A_2] : memref<16384xf32, #tpu.memory_space<hbm>> -> memref<512xf32, #tpu.memory_space<hbm>>
      tpu.enqueue_dma source(%arg13 : memref<512xf32, #tpu.memory_space<vmem>>) target(%dma_start3A_1149 : memref<512xf32, #tpu.memory_space<hbm>>) target_semaphore(%run_scoped3A : memref<!tpu.dma_semaphore, #tpu.memory_space<semaphore_mem>>)
      %dma_wait3A_1150 = tpu.memref_slice %arg6[%mul3A_2] : memref<16384xf32, #tpu.memory_space<hbm>> -> memref<512xf32, #tpu.memory_space<hbm>>
      %dma_wait3A_1151 = tpu.memref_slice %arg6[%mul3A_2] : memref<16384xf32, #tpu.memory_space<hbm>> -> memref<512xf32, #tpu.memory_space<hbm>>
      tpu.wait_dma2 semaphore(%run_scoped3A : memref<!tpu.dma_semaphore, #tpu.memory_space<semaphore_mem>>) src(%arg13 : memref<512xf32, #tpu.memory_space<vmem>>) dst(%dma_wait3A_1151 : memref<512xf32, #tpu.memory_space<hbm>>)
      tpu.yield
    }) : () -> ()
    return
  }
}

module attributes {stable_mosaic.version = 14 : i64} {
  func.func @body(%arg0: i32, %arg1: memref<64x32768xf32, #tpu.memory_space<vmem>>, %arg2: memref<64x32768xf32, #tpu.memory_space<vmem>>, %arg3: memref<64x1xf32, #tpu.memory_space<vmem>>, %arg4: memref<64x1xf32, #tpu.memory_space<vmem>>, %arg5: memref<1x1xf32, #tpu.memory_space<vmem>>, %arg6: memref<32768xf32, #tpu.memory_space<vmem>>, %arg7: memref<32768xf32, #tpu.memory_space<vmem>>) attributes {dimension_semantics = [#tpu.dimension_semantics<arbitrary>], iteration_bounds = array<i64: 35>, scalar_prefetch = 0 : i64, scratch_operands = 0 : i64, tpu.core_type = #tpu.core_type<tc>, window_params = [{transform_indices = @transform_0, window_bounds = array<i64: 64, 32768>}, {transform_indices = @transform_1, window_bounds = array<i64: 64, 32768>}, {pipeline_mode = #tpu.pipeline_mode<synchronous>, transform_indices = @transform_2, window_bounds = array<i64: 64, 1>}, {pipeline_mode = #tpu.pipeline_mode<synchronous>, transform_indices = @transform_3, window_bounds = array<i64: 64, 1>}, {pipeline_mode = #tpu.pipeline_mode<synchronous>, transform_indices = @transform_4, window_bounds = array<i64: 1, 1>}, {transform_indices = @transform_5, window_bounds = array<i64: 32768>}, {transform_indices = @transform_6, window_bounds = array<i64: 32768>}]} {
    %lt3A = arith.constant 31 : i32
    %lt3A_0 = arith.cmpi slt, %arg0, %lt3A : i32
    %convert_element_type3A = arith.extui %lt3A_0 : i1 to i32
    %cond3A = arith.constant 0 : i32
    %cond3A_1 = arith.cmpi ne, %convert_element_type3A, %cond3A : i32
    scf.if %cond3A_1 {
      %get3A = arith.constant 0 : index
      %get3A_6 = arith.constant 0 : index
      %get3A_7 = vector.load %arg1[%get3A, %get3A_6] : memref<64x32768xf32, #tpu.memory_space<vmem>>, vector<64x32768xf32>
      %get3A_8 = arith.constant 0 : index
      %get3A_9 = arith.constant 0 : index
      %get3A_10 = vector.load %arg3[%get3A_8, %get3A_9] : memref<64x1xf32, #tpu.memory_space<vmem>>, vector<64x1xf32>
      %mul3A = vector.broadcast %get3A_10 : vector<64x1xf32> to vector<64x32768xf32>
      %mul3A_11 = arith.mulf %get3A_7, %mul3A : vector<64x32768xf32>
      %reduce_sum3A = arith.constant dense<0.000000e+00> : vector<32768xf32>
      %reduce_sum3A_12 = vector.multi_reduction <add>, %mul3A_11, %reduce_sum3A [0] : vector<64x32768xf32> to vector<32768xf32>
      %swap3A = arith.constant 0 : index
      %swap3A_13 = vector.load %arg6[%swap3A] : memref<32768xf32, #tpu.memory_space<vmem>>, vector<32768xf32>
      tpu.vector_store %arg6[%swap3A], %reduce_sum3A_12 {strides = array<i32>} : memref<32768xf32, #tpu.memory_space<vmem>>, vector<32768xf32>,
    } else {
    }
    %ge3A = arith.constant 31 : i32
    %ge3A_2 = arith.cmpi sge, %arg0, %ge3A : i32
    %convert_element_type3A_3 = arith.extui %ge3A_2 : i1 to i32
    %cond3A_4 = arith.constant 0 : i32
    %cond3A_5 = arith.cmpi ne, %convert_element_type3A_3, %cond3A_4 : i32
    scf.if %cond3A_5 {
      %get3A = arith.constant 0 : index
      %get3A_6 = arith.constant 0 : index
      %get3A_7 = vector.load %arg2[%get3A, %get3A_6] : memref<64x32768xf32, #tpu.memory_space<vmem>>, vector<64x32768xf32>
      %get3A_8 = arith.constant 0 : index
      %get3A_9 = arith.constant 0 : index
      %get3A_10 = vector.load %arg4[%get3A_8, %get3A_9] : memref<64x1xf32, #tpu.memory_space<vmem>>, vector<64x1xf32>
      %mul3A = vector.broadcast %get3A_10 : vector<64x1xf32> to vector<64x32768xf32>
      %mul3A_11 = arith.mulf %get3A_7, %mul3A : vector<64x32768xf32>
      %reduce_sum3A = arith.constant dense<0.000000e+00> : vector<32768xf32>
      %reduce_sum3A_12 = vector.multi_reduction <add>, %mul3A_11, %reduce_sum3A [0] : vector<64x32768xf32> to vector<32768xf32>
      %get3A_13 = arith.constant 0 : index
      %get3A_14 = arith.constant 0 : index
      %get3A_15 = vector.load %arg5[%get3A_13, %get3A_14] : memref<1x1xf32, #tpu.memory_space<vmem>>, vector<1x1xf32>
      %get3A_16 = vector.extract %get3A_15[0, 0] : f32 from vector<1x1xf32>
      %add3A = vector.broadcast %get3A_16 : f32 to vector<32768xf32>
      %add3A_17 = arith.addf %reduce_sum3A_12, %add3A : vector<32768xf32>
      %swap3A = arith.constant 0 : index
      %swap3A_18 = vector.load %arg7[%swap3A] : memref<32768xf32, #tpu.memory_space<vmem>>, vector<32768xf32>
      tpu.vector_store %arg7[%swap3A], %add3A_17 {strides = array<i32>} : memref<32768xf32, #tpu.memory_space<vmem>>, vector<32768xf32>,
    } else {
    }
    return
  }
  func.func @transform_0(%arg0: i32) -> (i32, i32) {
    %min3A = arith.constant 30 : i32
    %min3A_0 = arith.minsi %arg0, %min3A : i32
    %c0_i32 = arith.constant 0 : i32
    %c0_i32_1 = arith.constant 0 : i32
    return %c0_i32, %min3A_0 : i32, i32
  }
  func.func @transform_1(%arg0: i32) -> (i32, i32) {
    %sub3A = arith.constant 31 : i32
    %sub3A_0 = arith.subi %arg0, %sub3A : i32
    %jit3A = arith.constant 0 : i32
    %jit3A_1 = arith.constant 3 : i32
    %max3A = arith.maxsi %jit3A, %sub3A_0 : i32
    %min3A = arith.minsi %jit3A_1, %max3A : i32
    %c0_i32 = arith.constant 0 : i32
    %c0_i32_2 = arith.constant 0 : i32
    return %c0_i32, %min3A : i32, i32
  }
  func.func @transform_2(%arg0: i32) -> (i32, i32) {
    %c0_i32 = arith.constant 0 : i32
    %c0_i32_0 = arith.constant 0 : i32
    %c0_i32_1 = arith.constant 0 : i32
    return %c0_i32, %c0_i32_0 : i32, i32
  }
  func.func @transform_3(%arg0: i32) -> (i32, i32) {
    %c0_i32 = arith.constant 0 : i32
    %c0_i32_0 = arith.constant 0 : i32
    %c0_i32_1 = arith.constant 0 : i32
    return %c0_i32, %c0_i32_0 : i32, i32
  }
  func.func @transform_4(%arg0: i32) -> (i32, i32) {
    %c0_i32 = arith.constant 0 : i32
    %c0_i32_0 = arith.constant 0 : i32
    %c0_i32_1 = arith.constant 0 : i32
    return %c0_i32, %c0_i32_0 : i32, i32
  }
  func.func @transform_5(%arg0: i32) -> i32 {
    %min3A = arith.constant 30 : i32
    %min3A_0 = arith.minsi %arg0, %min3A : i32
    %c0_i32 = arith.constant 0 : i32
    return %min3A_0 : i32
  }
  func.func @transform_6(%arg0: i32) -> i32 {
    %sub3A = arith.constant 31 : i32
    %sub3A_0 = arith.subi %arg0, %sub3A : i32
    %jit3A = arith.constant 0 : i32
    %jit3A_1 = arith.constant 3 : i32
    %max3A = arith.maxsi %jit3A, %sub3A_0 : i32
    %min3A = arith.minsi %jit3A_1, %max3A : i32
    %c0_i32 = arith.constant 0 : i32
    return %min3A : i32
  }
}

</mosaic_0001>

<sc_bundles>
// kernel: kernel.4.cloned.1.call-start
scs
__scs_entry_jumppad:
0x0: {  	(pc) =	sbr.rel $0x88, $3  }
0x1: {  	(tag) =	ssettag $0x0;
	lr =	simm.s32 $0x1  }
0x2: {  	[smem:$0x3F9B] =	sst lr;
	_ =	strace $0xD0000000  }
0x3: {  	_ = 	snop  }
0x4: {  	_ = 	snop  }
0x5: {  	_ = 	snop  }
0x6: {  	_ = 	snop  }
0x7: {  	_ = 	snop  }
__scs_overlays_trampoline_lowered:
0x8: {  	[smem:$0x3FAA] =	sst s0  }
0x9: {  	[smem:$0x3FAB] =	sst s1  }
0xa: {  	[smem:$0x3FAC] =	sst s2  }
0xb: {  	[smem:$0x3FAD] =	sst s3  }
0xc: {  	[smem:$0x3FAE] =	sst s4  }
0xd: {  	[smem:$0x3FAF] =	sst s5  }
0xe: {  	[smem:$0x3FB0] =	sst s6  }
0xf: {  	[smem:$0x3FB1] =	sst s7  }
0x10: {  	[smem:$0x3FB2] =	sst s8  }
0x11: {  	[smem:$0x3FB3] =	sst s9;
	s0 =	simm.s32 @!p0 $0x0  }
0x12: {  	s1 =	sld [smem:$0x3F99];
	s0 =	simm.s32 @p0 $0x1  }
0x13: {  	[smem:$0x3FB4] =	sst s0;
	s0 =	simm.s32 @!p1 $0x0  }
0x14: {  	s2 =	sld [smem:$0x3F98];
	s0 =	simm.s32 @p1 $0x1  }
0x15: {  	[smem:$0x3FB5] =	sst s0;
	s0 =	simm.s32 @!p2 $0x0  }
0x16: {  	s3 =	sld [smem:$0x3FDB];
	s0 =	simm.s32 @p2 $0x1  }
0x17: {  	s4 =	simm.s32 $0x1BF5;
	[smem:$0x3FB7] =	sst s0  }
0x18: {  	s0 =	sld [smem:$0x3F9A];
	_ =	swait.ge [sflag:s4], $0x0  }
0x19: {  	s7 =	sld [smem:$0x3F9B]  }
0x1a: {  	s8 =	sadd.s32 $0xFFFFE003, lr  }
0x1b: {  	s9 =	sadd.s32 $0xFFFFFEF7, lr;
	s5 =	simm.s32 $0xFFFFFFFF;
	p2 =	slt.u32 s8, $0xFFFFF086  }
0x1c: {  	p1 =	slt.u32 s9, $0xF7A;
	s5 =	simm.s32 @!p2 $0x0  }
0x1d: {  	s5 =	simm.s32 @p1 $0x1;
	p0 =	seq.s32 s7, s2  }
0x1e: {  	s7 =	smul.u32 @!p0 $0xF7A, s2;
	p2 =	seq.s32 @!p0 s5, $0x0  }
0x1f: {  	s9 =	smul.u32 $0xF7A, s1;
	s8 =	simm.s32 @!p0 $0x1BF5;
	p2 =	por !p2, p0  }
0x20: {  	[sflag:s8] =	ssyncset.s32 @!p0 $0xFFFFF086;
	s6 =	sadd.s32 @!p0 s3, s7;
	s7 =	simm.s32 @!p0 $0x108  }
0x21: {  	s3 =	sadd.s32 s3, s9;
	s6 =	sadd.s32 @!p0 $0x88, s6;
	s7 =	simm.s32 @p2 $0x1082  }
0x22: {  	[simem:s7], [sflag:s8] =	dma.local @!p0 [hbm:s6], $0xF7A  }
0x23: {  	s9 =	sor.u32 $0xD0000000, s2;
	s6 =	simm.s32 $0x108;
	_ =	swait.ge @!p0 [sflag:s8], $0x0  }
0x24: {  	s3 =	sadd.s32 $0x88, s3;
	s6 =	simm.s32 @!p1 $0x1082;
	[sflag:s4] =	ssyncset.s32 $0xFFFFF086  }
0x25: {  	[simem:s6], [sflag:s4] =	dma.local [hbm:s3], $0xF7A  }
0x26: {  	[smem:$0x3F9B] =	sst s1;
	(tag) =	ssettag s2;
	_ =	strace s9  }
0x27: {  	s1 =	sld [smem:$0x3FAB]  }
0x28: {  	s2 =	sld [smem:$0x3FAC]  }
0x29: {  	s4 =	sld [smem:$0x3FAE]  }
0x2a: {  	p0 =	seq.s32 s5, $0x0;
	s5 =	sld [smem:$0x3FAF]  }
0x2b: {  	s6 =	sld [smem:$0x3FB0]  }
0x2c: {  	s7 =	sld [smem:$0x3FB1]  }
0x2d: {  	s3 =	simm.s32 $0x108;
	s8 =	sld [smem:$0x3FB2]  }
0x2e: {  	s3 =	simm.s32 @!p0 $0x1082;
	s9 =	sld [smem:$0x3FB3]  }
0x2f: {  	lr =	sadd.s32 s0, s3;
	s0 =	sld [smem:$0x3FAA]  }
0x30: {  	s3 =	sld [smem:$0x3FAD]  }
0x31: {  	[smem:$0x3FB6] =	sst s10  }
0x32: {  	s10 =	sld [smem:$0x3FB4];
	_ =	sdelay $0x3  }
0x33: {  	p0 =	seq.s32 s10, $0x1;
	s10 =	sld [smem:$0x3FB6];
	_ =	sdelay $0x3  }
0x34: {  	[smem:$0x3FB6] =	sst s10  }
0x35: {  	s10 =	sld [smem:$0x3FB5];
	_ =	sdelay $0x3  }
0x36: {  	p1 =	seq.s32 s10, $0x1;
	s10 =	sld [smem:$0x3FB6];
	_ =	sdelay $0x3  }
0x37: {  	[smem:$0x3FB6] =	sst s10  }
0x38: {  	s10 =	sld [smem:$0x3FB7]  }
0x39: {  	_ = 	snop;
	(pc) =	sbr.ind lr, $3  }
0x3a: {  	_ = 	snop  }
0x3b: {  	_ = 	snop  }
0x3c: {  	p2 =	seq.s32 s10, $0x1;
	s10 =	sld [smem:$0x3FB6]  }
0x3d: {  	_ =	shalt  }
0x3e: {  	_ =	shalt  }
0x3f: {  	_ =	shalt  }
0x40: {  	_ =	shalt  }
0x41: {  	_ =	shalt  }
0x42: {  	_ =	shalt  }
0x43: {  	_ =	shalt  }
0x44: {  	_ =	shalt  }
0x45: {  	_ =	shalt  }
0x46: {  	_ =	shalt  }
0x47: {  	_ =	shalt  }
0x48: {  	_ =	shalt  }
0x49: {  	_ =	shalt  }
0x4a: {  	_ =	shalt  }
0x4b: {  	_ =	shalt  }
0x4c: {  	_ =	shalt  }
0x4d: {  	_ =	shalt  }
0x4e: {  	_ =	shalt  }
0x4f: {  	_ =	shalt  }
0x50: {  	_ =	shalt  }
0x51: {  	_ =	shalt  }
0x52: {  	_ =	shalt  }
0x53: {  	_ =	shalt  }
0x54: {  	_ =	shalt  }
0x55: {  	_ =	shalt  }
0x56: {  	_ =	shalt  }
0x57: {  	_ =	shalt  }
0x58: {  	_ =	shalt  }
0x59: {  	_ =	shalt  }
0x5a: {  	_ =	shalt  }
0x5b: {  	_ =	shalt  }
0x5c: {  	_ =	shalt  }
0x5d: {  	_ =	shalt  }
0x5e: {  	_ =	shalt  }
0x5f: {  	_ =	shalt  }
0x60: {  	_ =	shalt  }
0x61: {  	_ =	shalt  }
0x62: {  	_ =	shalt  }
0x63: {  	_ =	shalt  }
0x64: {  	_ =	shalt  }
0x65: {  	_ =	shalt  }
0x66: {  	_ =	shalt  }
0x67: {  	_ =	shalt  }
0x68: {  	_ =	shalt  }
0x69: {  	_ =	shalt  }
0x6a: {  	_ =	shalt  }
0x6b: {  	_ =	shalt  }
0x6c: {  	_ =	shalt  }
0x6d: {  	_ =	shalt  }
0x6e: {  	_ =	shalt  }
0x6f: {  	_ =	shalt  }
0x70: {  	_ =	shalt  }
0x71: {  	_ =	shalt  }
0x72: {  	_ =	shalt  }
0x73: {  	_ =	shalt  }
0x74: {  	_ =	shalt  }
0x75: {  	_ =	shalt  }
0x76: {  	_ =	shalt  }
0x77: {  	_ =	shalt  }
0x78: {  	_ =	shalt  }
0x79: {  	_ =	shalt  }
0x7a: {  	_ =	shalt  }
0x7b: {  	_ =	shalt  }
0x7c: {  	_ =	shalt  }
0x7d: {  	_ =	shalt  }
0x7e: {  	_ =	shalt  }
0x7f: {  	_ =	shalt  }
0x80: {  	_ =	shalt  }
0x81: {  	_ =	shalt  }
0x82: {  	_ =	shalt  }
0x83: {  	_ =	shalt  }
0x84: {  	_ =	shalt  }
0x85: {  	_ =	shalt  }
0x86: {  	_ =	shalt  }
0x87: {  	_ =	shalt  }
.Lfunc_end0:
.L_simem_size_0:
called_computation_lowered:
.L_overlay_start_0:
0x88: {  	s2 =	sld [smem:$0x3FD9]  }
0x89: {  	s3 =	sld [smem:$0x3FFE];
	_ =	sdelay $0x1  }
0x8a: {  	s1 =	srdreg.scid  }
0x8b: {  	s0 =	sand.u32 $0x1, s1  }
0x8c: {  	s17 =	sshll.u32 s0, $0xA;
	s2 =	sadd.s32 s3, s2  }
0x8d: {  	s2 =	sadd.s32 s2, s17  }
0x8e: {  	[smem:$0x3FC2] =	sst s2  }
0x8f: {  	_ = 	snop  }
0x90: {  	s2 =	sld [smem:$0x3FC9]  }
0x91: {  	s18 =	sld [smem:$0x3FC8]  }
0x92: {  	s4 =	sld [smem:$0x3FD0];
	(tm) =	ssettm $0x1  }
0x93: {  	s5 =	sld [smem:$0x3FFB];
	_ =	sdelay $0x3  }
0x94: {  	_ =	strace s5  }
0x95: {  	s5 =	sld [smem:$0x3FFC];
	_ =	sdelay $0x3  }
0x96: {  	_ =	strace s5  }
0x97: {  	s5 =	sld [smem:$0x3FFD];
	_ =	sdelay $0x3  }
0x98: {  	_ =	strace s5  }
0x99: {  	_ =	strace $0x8FFFFFFF  }
0x9a: {  	s19 =	sld [smem:$0x3FDB];
	_ =	sdelay $0x1  }
0x9b: {  	s6 =	simm.s32 $_scs_section_size  }
0x9c: {  	s7 =	simm.s32 $_size__tile_overlayer_lowered;
	s8 =	simm.s32 $_tile_overlayer_lowered  }
0x9d: {  	s22 =	simm.s32 $0x1BFF;
	s21 =	sshll.u32 s8, $0x1;
	s5 =	sadd.s32 s6, s19  }
0x9e: {  	s9 =	simm.s32 $0x0;
	s20 =	sshll.u32 s7, $0x1;
	s7 =	sadd.s32 s21, s5  }
0x9f: {  	[timem:s9], [sflag:s22] =	dma.local [hbm:s7], s20  }
0xa0: {  	_ =	swait.ge [sflag:s22], s20  }
0xa1: {  	s6 =	ssub.s32 $0x0, s20;
	[sflag:s22] =	ssyncset.done $0x0  }
0xa2: {  	[sflag:s22] =	ssyncadd.s32 s6;
	_ =	sdelay $0x1  }
0xa3: {  	s23 =	simm.s32 $0x1B8B  }
0xa4: {  	_ =	swait.ge [sflag:s23], $0x1  }
0xa5: {  	[sflag:s23] =	ssyncset.done $0x0  }
0xa6: {  	s25 =	simm.s32 $0x1B8E;
	s24 =	sld [smem:$0x3FFE];
	[sflag:s23] =	ssyncadd.s32 $0xFFFFFFFF  }
0xa7: {  	s26 =	simm.s32 $execute0_lowered;
	[smem:$0x3FD2] =	sst s25  }
0xa8: {  	s7 =	sshll.u32 s26, $0x1;
	_ =	strace $0x80000046;
	[dreg:$0x1] =	wrdreg $0xFFFFFFFF  }
0xa9: {  	s28 =	simm.s32 $_size_execute0_lowered;
	s5 =	sadd.s32 s5, s7;
	[dreg:$0x0] =	wrdreg $0x0  }
0xaa: {  	s7 =	sshll.u32 s28, $0x1;
	[dreg:$0x2] =	wrdreg s5  }
0xab: {  	[dreg:$0x3] =	wrdreg s7  }
0xac: {  	[dreg:$0x4] =	wrdreg $0xC0  }
0xad: {  	_ =	task [dreg:s9], $0x5FFFF  }
0xae: {  	[dreg:$0x1] =	wrdreg $0xFFFFFFFF  }
0xaf: {  	[dreg:$0x0] =	wrdreg $0x60  }
0xb0: {  	[dreg:$0x2] =	wrdreg s2  }
0xb1: {  	[dreg:$0x3] =	wrdreg s18  }
0xb2: {  	[dreg:$0x4] =	wrdreg s24  }
0xb3: {  	[dreg:$0x5] =	wrdreg s4  }
0xb4: {  	[dreg:$0x6] =	wrdreg $0x9  }
0xb5: {  	_ =	task.clear_ibuf [dreg:s9], $0x7FFFF;
	_ =	strace $0x90000046  }
0xb6: {  	s29 =	simm.s32 $0x9;
	_ =	strace $0x80000048  }
0xb7: {  	_ =	swait.ge [sflag:s29], $0x1  }
0xb8: {  	[sflag:s29] =	ssyncadd.s32 $0xFFFFFFFF  }
0xb9: {  	_ =	strace $0x90000048  }
0xba: {  	_ =	sfence  }
0xbb: {  	s30 =	sld [smem:$0x0];
	_ =	sdelay $0x2  }
0xbc: {  	s31 =	sshll.u32 s1, $0xD;
	s1 =	sshrl.u32 s1, $0x2  }
0xbd: {  	s3 =	sand.u32 $0x4000, s31;
	s1 =	sadd.s32 s1, s30  }
0xbe: {  	s0 =	sor.u32 s3, s0;
	s1 =	sshll.u32 s1, $0x11  }
0xbf: {  	s0 =	sor.u32 s1, s0  }
0xc0: {  	s0 =	sadd.s32 $0x8F2B, s0  }
0xc1: {  	[sflag:s0] =	ssyncadd.remote.s32 $0x1  }
0xc2: {  	_ =	sfence.sel $0xFFFF  }
0xc3: {  	[dreg:$0x0] =	wrdreg $0xFFFFFFFF;
	(pc) =	sbr.abs _section_cstart, $3  }
0xc4: {  	[dreg:$0x1] =	wrdreg $0xFFFFFFFF  }
0xc5: {  	_ =	task.clear_ibuf [dreg:s9], $0x2FFFF;
	_ =	strace $0x9FFFFFFF  }
0xc6: {  	(tm) =	ssettm $0x7FFFFFFF  }
0xc7: {  	_ =	shalt  }
tec
execute0_lowered:
.L_overlay_start_1:
0x0: {  	(tag) =	ssettag $0x1  }
0x1: {  	s5 =	rddreg [dreg:$0x0]  }
0x2: {  	s6 =	rddreg [dreg:$0x1]  }
0x3: {  	s4 =	rddreg [dreg:$0x2]  }
0x4: {  	s7 =	rddreg [dreg:$0x3]  }
0x5: {  	s0 =	rddreg [dreg:$0x4];
	v0 =	vlaneseq.u32  }
0x6: {  	s1 =	simm.s32 $0x0;
	s3 =	srdreg.scid;
	s2 =	stileid.u32;
	v0 =	vmul.u32 $0x10, v0  }
0x7: {  	s12 =	simm.s32 $0x400;
	s13 =	simm.s32 $0x800;
	s14 =	simm.s32 $0x600  }
0x8: {  	s15 =	simm.s32 $0x2800;
	s16 =	simm.s32 $0x480;
	s17 =	simm.s32 $0x1000;
	v1 =	vor.u32 $0x100, v0  }
0x9: {  	s18 =	simm.s32 $0x680;
	s19 =	simm.s32 $0x3000;
	s20 =	simm.s32 $0x500;
	v2 =	vor.u32 $0x200, v0;
	v3 =	vor.u32 $0x300, v0;
	v4 =	vor.u32 $0x400, v0  }
0xa: {  	s21 =	simm.s32 $0x1800;
	s22 =	simm.s32 $0x700;
	s23 =	simm.s32 $0x3800;
	v5 =	vor.u32 $0x500, v0;
	v6 =	vor.u32 $0x600, v0;
	v7 =	vor.u32 $0x700, v0  }
0xb: {  	s24 =	simm.s32 $0x580;
	s25 =	simm.s32 $0x2000;
	s26 =	simm.s32 $0x780;
	v8 =	vor.u32 $0x800, v0;
	v9 =	vor.u32 $0x900, v0;
	v10 =	vor.u32 $0xA00, v0  }
0xc: {  	s28 =	simm.s32 $0x4000;
	s29 =	simm.s32 $0x1;
	s30 =	simm.s32 $0x4800;
	v11 =	vor.u32 $0xB00, v0;
	v12 =	vor.u32 $0xC00, v0;
	v13 =	vor.u32 $0xD00, v0  }
0xd: {  	[smem:$0x7FF] =	sst s1;
	s3 =	sand.u32 $0x1, s3;
	s9 =	sshll.u32 s2, $0x7;
	v14 =	vor.u32 $0xE00, v0;
	v15 =	vor.u32 $0xF00, v0;
	v16 =	vor.u32 $0x1000, v0  }
0xe: {  	_ =	strace $0x80000047;
	s8 =	ssub.s32 $0x2, s3;
	s10 =	sshll.u32 s3, $0x6;
	v17 =	vor.u32 $0x1100, v0;
	v18 =	vor.u32 $0x1200, v0;
	v19 =	vor.u32 $0x1300, v0  }
0xf: {  	s3 =	sadd.s32 $0xE00, s4;
	s4 =	sadd.s32 $0x1F800, s4;
	s11 =	sshrl.u32 s8, $0x1;
	v20 =	vor.u32 $0x1400, v0;
	v21 =	vor.u32 $0x1500, v0;
	v22 =	vor.u32 $0x1600, v0  }
0x10: {  	s9 =	sor.u32 s10, s9;
	s10 =	simm.s32 $0x200;
	v23 =	vor.u32 $0x1700, v0;
	v24 =	vor.u32 $0x1800, v0;
	v25 =	vor.u32 $0x1900, v0;
	s8 =	ssub.s32 s8, s11  }
0x11: {  	v26 =	vor.u32 $0x1A00, v0;
	v27 =	vor.u32 $0x1B00, v0;
	v28 =	vor.u32 $0x1C00, v0;
	s5 =	sadd.s32 s5, s9;
	s6 =	sadd.s32 s6, s9;
	s7 =	sadd.s32 s7, s9  }
0x12: {  	v29 =	vor.u32 $0x1D00, v0;
	v30 =	vor.u32 $0x1E00, v0;
	v31 =	vor.u32 $0x1F00, v0;
	s9 =	simm.s32 $0x2;
	s11 =	simm.s32 $0x80;
	s8 =	smax.u32 s8, $0x1  }
.LBB2_1:
0x13: {  	[tilespmem:s1], [sflag:$0x2] =	stream.linear.gather [hbm4b:s5+s1], $0x200, $0x38;
	[tilespmem:$0x4A00] =	vst v63  }
0x14: {  	_ =	swait.ge [sflag:s9], $0x200  }
0x15: {  	[sflag:s9] =	ssyncset.done $0x0  }
0x16: {  	[sflag:s9] =	ssyncadd.s32 $0xFFFFFE00  }
0x17: {  	[tilespmem:s10], [sflag:$0x2] =	stream.linear.gather [hbm4b:s6+s1], $0x200, $0x38;
	[tilespmem:$0x4A00] =	vst v63  }
0x18: {  	_ =	swait.ge [sflag:s9], $0x200  }
0x19: {  	[sflag:s9] =	ssyncset.done $0x0  }
0x1a: {  	[sflag:s9] =	ssyncadd.s32 $0xFFFFFE00  }
0x1b: {  	v32 =	vld [tilespmem:$0x0]  }
0x1c: {  	v33 =	vld [tilespmem:$0x200]  }
0x1d: {  	v34 =	vld [tilespmem:$0x10]  }
0x1e: {  	v35 =	vld [tilespmem:$0x210]  }
0x1f: {  	v36 =	vld [tilespmem:$0x20]  }
0x20: {  	v37 =	vld [tilespmem:$0x220];
	v32 =	vshrl.u32 v32, $0x4  }
0x21: {  	v55 =	vld [tilespmem:$0x30];
	v54 =	vshrl.u32 v33, $0x4;
	[tilespmem:$0x400] =	vst v32  }
0x22: {  	v57 =	vld [tilespmem:$0x230];
	v56 =	vshrl.u32 v34, $0x4;
	[tilespmem:$0x600] =	vst v54  }
0x23: {  	v59 =	vld [tilespmem:$0x40];
	v58 =	vshrl.u32 v35, $0x4;
	[tilespmem:$0x410] =	vst v56  }
0x24: {  	v61 =	vld [tilespmem:$0x240];
	v60 =	vshrl.u32 v36, $0x4;
	[tilespmem:$0x610] =	vst v58  }
0x25: {  	v63 =	vld [tilespmem:$0x50];
	v62 =	vshrl.u32 v37, $0x4;
	[tilespmem:$0x420] =	vst v60  }
0x26: {  	v41 =	vld [tilespmem:$0x250];
	v40 =	vshrl.u32 v55, $0x4;
	[tilespmem:$0x620] =	vst v62  }
0x27: {  	v43 =	vld [tilespmem:$0x60];
	v42 =	vshrl.u32 v57, $0x4;
	[tilespmem:$0x430] =	vst v40  }
0x28: {  	v45 =	vld [tilespmem:$0x260];
	v44 =	vshrl.u32 v59, $0x4;
	[tilespmem:$0x630] =	vst v42  }
0x29: {  	v47 =	vld [tilespmem:$0x70];
	v46 =	vshrl.u32 v61, $0x4;
	[tilespmem:$0x440] =	vst v44  }
0x2a: {  	v49 =	vld [tilespmem:$0x270];
	v48 =	vshrl.u32 v63, $0x4;
	[tilespmem:$0x640] =	vst v46  }
0x2b: {  	v51 =	vld [tilespmem:$0x80];
	v50 =	vshrl.u32 v41, $0x4;
	[tilespmem:$0x450] =	vst v48  }
0x2c: {  	v53 =	vld [tilespmem:$0x280];
	v52 =	vshrl.u32 v43, $0x4;
	[tilespmem:$0x650] =	vst v50  }
0x2d: {  	v55 =	vld [tilespmem:$0x90];
	[tilespmem:$0x460] =	vst v52;
	v54 =	vshrl.u32 v45, $0x4  }
0x2e: {  	v57 =	vld [tilespmem:$0x290];
	v56 =	vshrl.u32 v47, $0x4;
	[tilespmem:$0x660] =	vst v54  }
0x2f: {  	v59 =	vld [tilespmem:$0xA0];
	v58 =	vshrl.u32 v49, $0x4;
	[tilespmem:$0x470] =	vst v56  }
0x30: {  	v61 =	vld [tilespmem:$0x2A0];
	v60 =	vshrl.u32 v51, $0x4;
	[tilespmem:$0x670] =	vst v58  }
0x31: {  	v63 =	vld [tilespmem:$0xB0];
	v62 =	vshrl.u32 v53, $0x4;
	[tilespmem:$0x480] =	vst v60  }
0x32: {  	v41 =	vld [tilespmem:$0x2B0];
	[tilespmem:$0x680] =	vst v62;
	v40 =	vshrl.u32 v55, $0x4  }
0x33: {  	v43 =	vld [tilespmem:$0xC0];
	v42 =	vshrl.u32 v57, $0x4;
	[tilespmem:$0x490] =	vst v40  }
0x34: {  	v45 =	vld [tilespmem:$0x2C0];
	v44 =	vshrl.u32 v59, $0x4;
	[tilespmem:$0x690] =	vst v42  }
0x35: {  	v47 =	vld [tilespmem:$0xD0];
	v46 =	vshrl.u32 v61, $0x4;
	[tilespmem:$0x4A0] =	vst v44  }
0x36: {  	v49 =	vld [tilespmem:$0x2D0];
	v48 =	vshrl.u32 v63, $0x4;
	[tilespmem:$0x6A0] =	vst v46  }
0x37: {  	v51 =	vld [tilespmem:$0xE0];
	v50 =	vshrl.u32 v41, $0x4;
	[tilespmem:$0x4B0] =	vst v48  }
0x38: {  	v53 =	vld [tilespmem:$0x2E0];
	v52 =	vshrl.u32 v43, $0x4;
	[tilespmem:$0x6B0] =	vst v50  }
0x39: {  	v55 =	vld [tilespmem:$0xF0];
	[tilespmem:$0x4C0] =	vst v52;
	v54 =	vshrl.u32 v45, $0x4  }
0x3a: {  	v57 =	vld [tilespmem:$0x2F0];
	v56 =	vshrl.u32 v47, $0x4;
	[tilespmem:$0x6C0] =	vst v54  }
0x3b: {  	v59 =	vld [tilespmem:$0x100];
	v58 =	vshrl.u32 v49, $0x4;
	[tilespmem:$0x4D0] =	vst v56  }
0x3c: {  	v61 =	vld [tilespmem:$0x300];
	v60 =	vshrl.u32 v51, $0x4;
	[tilespmem:$0x6D0] =	vst v58  }
0x3d: {  	v63 =	vld [tilespmem:$0x110];
	v62 =	vshrl.u32 v53, $0x4;
	[tilespmem:$0x4E0] =	vst v60  }
0x3e: {  	v41 =	vld [tilespmem:$0x310];
	[tilespmem:$0x6E0] =	vst v62;
	v40 =	vshrl.u32 v55, $0x4  }
0x3f: {  	v43 =	vld [tilespmem:$0x120];
	v42 =	vshrl.u32 v57, $0x4;
	[tilespmem:$0x4F0] =	vst v40  }
0x40: {  	v45 =	vld [tilespmem:$0x320];
	v44 =	vshrl.u32 v59, $0x4;
	[tilespmem:$0x6F0] =	vst v42  }
0x41: {  	v47 =	vld [tilespmem:$0x130];
	v46 =	vshrl.u32 v61, $0x4;
	[tilespmem:$0x500] =	vst v44  }
0x42: {  	v49 =	vld [tilespmem:$0x330];
	v48 =	vshrl.u32 v63, $0x4;
	[tilespmem:$0x700] =	vst v46  }
0x43: {  	v51 =	vld [tilespmem:$0x140];
	v50 =	vshrl.u32 v41, $0x4;
	[tilespmem:$0x510] =	vst v48  }
0x44: {  	v53 =	vld [tilespmem:$0x340];
	v52 =	vshrl.u32 v43, $0x4;
	[tilespmem:$0x710] =	vst v50  }
0x45: {  	v55 =	vld [tilespmem:$0x150];
	[tilespmem:$0x520] =	vst v52;
	v54 =	vshrl.u32 v45, $0x4  }
0x46: {  	v57 =	vld [tilespmem:$0x350];
	v56 =	vshrl.u32 v47, $0x4;
	[tilespmem:$0x720] =	vst v54  }
0x47: {  	v59 =	vld [tilespmem:$0x160];
	v58 =	vshrl.u32 v49, $0x4;
	[tilespmem:$0x530] =	vst v56  }
0x48: {  	v61 =	vld [tilespmem:$0x360];
	v60 =	vshrl.u32 v51, $0x4;
	[tilespmem:$0x730] =	vst v58  }
0x49: {  	v63 =	vld [tilespmem:$0x170];
	v62 =	vshrl.u32 v53, $0x4;
	[tilespmem:$0x540] =	vst v60  }
0x4a: {  	v41 =	vld [tilespmem:$0x370];
	[tilespmem:$0x740] =	vst v62;
	v40 =	vshrl.u32 v55, $0x4  }
0x4b: {  	v43 =	vld [tilespmem:$0x180];
	v42 =	vshrl.u32 v57, $0x4;
	[tilespmem:$0x550] =	vst v40  }
0x4c: {  	v45 =	vld [tilespmem:$0x380];
	v44 =	vshrl.u32 v59, $0x4;
	[tilespmem:$0x750] =	vst v42  }
0x4d: {  	v47 =	vld [tilespmem:$0x190];
	v46 =	vshrl.u32 v61, $0x4;
	[tilespmem:$0x560] =	vst v44  }
0x4e: {  	v49 =	vld [tilespmem:$0x390];
	v48 =	vshrl.u32 v63, $0x4;
	[tilespmem:$0x760] =	vst v46  }
0x4f: {  	v51 =	vld [tilespmem:$0x1A0];
	v50 =	vshrl.u32 v41, $0x4;
	[tilespmem:$0x570] =	vst v48  }
0x50: {  	v53 =	vld [tilespmem:$0x3A0];
	v52 =	vshrl.u32 v43, $0x4;
	[tilespmem:$0x770] =	vst v50  }
0x51: {  	v55 =	vld [tilespmem:$0x1B0];
	[tilespmem:$0x580] =	vst v52;
	v54 =	vshrl.u32 v45, $0x4  }
0x52: {  	v57 =	vld [tilespmem:$0x3B0];
	v56 =	vshrl.u32 v47, $0x4;
	[tilespmem:$0x780] =	vst v54  }
0x53: {  	v59 =	vld [tilespmem:$0x1C0];
	v58 =	vshrl.u32 v49, $0x4;
	[tilespmem:$0x590] =	vst v56  }
0x54: {  	v61 =	vld [tilespmem:$0x3C0];
	v60 =	vshrl.u32 v51, $0x4;
	[tilespmem:$0x790] =	vst v58  }
0x55: {  	v63 =	vld [tilespmem:$0x1D0];
	v62 =	vshrl.u32 v53, $0x4;
	[tilespmem:$0x5A0] =	vst v60  }
0x56: {  	v41 =	vld [tilespmem:$0x3D0];
	[tilespmem:$0x7A0] =	vst v62;
	v40 =	vshrl.u32 v55, $0x4  }
0x57: {  	v43 =	vld [tilespmem:$0x1E0];
	v42 =	vshrl.u32 v57, $0x4;
	[tilespmem:$0x5B0] =	vst v40  }
0x58: {  	v45 =	vld [tilespmem:$0x3E0];
	v44 =	vshrl.u32 v59, $0x4;
	[tilespmem:$0x7B0] =	vst v42  }
0x59: {  	v47 =	vld [tilespmem:$0x1F0];
	v46 =	vshrl.u32 v61, $0x4;
	[tilespmem:$0x5C0] =	vst v44  }
0x5a: {  	v49 =	vld [tilespmem:$0x3F0];
	v48 =	vshrl.u32 v63, $0x4;
	[tilespmem:$0x7C0] =	vst v46  }
0x5b: {  	v50 =	vshrl.u32 v41, $0x4;
	[tilespmem:$0x5D0] =	vst v48  }
0x5c: {  	v51 =	vshrl.u32 v43, $0x4;
	[tilespmem:$0x7D0] =	vst v50  }
0x5d: {  	[tilespmem:$0x5E0] =	vst v51;
	v52 =	vshrl.u32 v45, $0x4  }
0x5e: {  	v53 =	vshrl.u32 v47, $0x4;
	[tilespmem:$0x7E0] =	vst v52  }
0x5f: {  	v54 =	vshrl.u32 v49, $0x4;
	[tilespmem:$0x5F0] =	vst v53  }
0x60: {  	[tilespmem:$0x7F0] =	vst v54  }
0x61: {  	[tilespmem:s13], [sflag:$0x1] =	stream.indirect.gather [hbm4b:s3+s11], $0x10, s12, s11, $0xb8;
	[tilespmem:$0x4A00] =	vst v63  }
0x62: {  	_ = 	snop  }
0x63: {  	[tilespmem:s15], [sflag:$0x1] =	stream.indirect.gather [hbm4b:s4+s11], $0x10, s14, s11, $0xb8;
	[tilespmem:$0x4A00] =	vst v63  }
0x64: {  	_ = 	snop  }
0x65: {  	[tilespmem:s17], [sflag:$0x1] =	stream.indirect.gather [hbm4b:s3+s11], $0x10, s16, s11, $0xb8;
	[tilespmem:$0x4A00] =	vst v63  }
0x66: {  	_ = 	snop  }
0x67: {  	[tilespmem:s19], [sflag:$0x1] =	stream.indirect.gather [hbm4b:s4+s11], $0x10, s18, s11, $0xb8;
	[tilespmem:$0x4A00] =	vst v63  }
0x68: {  	_ = 	snop  }
0x69: {  	[tilespmem:s21], [sflag:$0x1] =	stream.indirect.gather [hbm4b:s3+s11], $0x10, s20, s11, $0xb8;
	[tilespmem:$0x4A00] =	vst v63  }
0x6a: {  	_ = 	snop  }
0x6b: {  	[tilespmem:s23], [sflag:$0x1] =	stream.indirect.gather [hbm4b:s4+s11], $0x10, s22, s11, $0xb8;
	[tilespmem:$0x4A00] =	vst v63  }
0x6c: {  	_ = 	snop  }
0x6d: {  	[tilespmem:s25], [sflag:$0x1] =	stream.indirect.gather [hbm4b:s3+s11], $0x10, s24, s11, $0xb8;
	[tilespmem:$0x4A00] =	vst v63  }
0x6e: {  	_ = 	snop  }
0x6f: {  	[tilespmem:s28], [sflag:$0x1] =	stream.indirect.gather [hbm4b:s4+s11], $0x10, s26, s11, $0xb8;
	[tilespmem:$0x4A00] =	vst v63  }
0x70: {  	_ =	swait.ge [sflag:s29], $0x800  }
0x71: {  	[sflag:s29] =	ssyncset.done $0x0  }
0x72: {  	[sflag:s29] =	ssyncadd.s32 $0xFFFFF800  }
0x73: {  	_ =	swait.ge [sflag:s29], $0x800  }
0x74: {  	[sflag:s29] =	ssyncset.done $0x0  }
0x75: {  	[sflag:s29] =	ssyncadd.s32 $0xFFFFF800  }
0x76: {  	_ =	swait.ge [sflag:s29], $0x800  }
0x77: {  	[sflag:s29] =	ssyncset.done $0x0  }
0x78: {  	[sflag:s29] =	ssyncadd.s32 $0xFFFFF800  }
0x79: {  	_ =	swait.ge [sflag:s29], $0x800  }
0x7a: {  	[sflag:s29] =	ssyncset.done $0x0  }
0x7b: {  	[sflag:s29] =	ssyncadd.s32 $0xFFFFF800  }
0x7c: {  	_ =	swait.ge [sflag:s29], $0x800  }
0x7d: {  	[sflag:s29] =	ssyncset.done $0x0  }
0x7e: {  	[sflag:s29] =	ssyncadd.s32 $0xFFFFF800  }
0x7f: {  	_ =	swait.ge [sflag:s29], $0x800  }
0x80: {  	[sflag:s29] =	ssyncset.done $0x0  }
0x81: {  	[sflag:s29] =	ssyncadd.s32 $0xFFFFF800  }
0x82: {  	_ =	swait.ge [sflag:s29], $0x800  }
0x83: {  	[sflag:s29] =	ssyncset.done $0x0  }
0x84: {  	[sflag:s29] =	ssyncadd.s32 $0xFFFFF800  }
0x85: {  	_ =	swait.ge [sflag:s29], $0x800  }
0x86: {  	[sflag:s29] =	ssyncset.done $0x0  }
0x87: {  	[sflag:s29] =	ssyncadd.s32 $0xFFFFF800  }
0x88: {  	v55 =	vld [tilespmem:$0x0]  }
0x89: {  	v56 =	vld [tilespmem:$0x200];
	_ =	sdelay $0x3  }
0x8a: {  	v32 =	vand.u32 $0xF, v55  }
0x8b: {  	v33 =	vand.u32 $0xF, v56;
	v32 =	vor.u32 v0, v32  }
0x8c: {  	v33 =	vor.u32 v0, v33;
	_ =	sdelay $0x1  }
0x8d: {  	v57 =	vld [tilespmem:$0x10]  }
0x8e: {  	v58 =	vld [tilespmem:$0x210]  }
0x8f: {  	v32 =	vld.idx.msk [tilespmem:v32+s13+$0x0], $0xffff  }
0x90: {  	v33 =	vld.idx.msk [tilespmem:v33+s15+$0x0], $0xffff;
	_ =	sdelay $0x1  }
0x91: {  	v34 =	vand.u32 $0xF, v57  }
0x92: {  	v35 =	vand.u32 $0xF, v58;
	v34 =	vor.u32 v1, v34  }
0x93: {  	v35 =	vor.u32 v1, v35  }
0x94: {  	v32 =	vadd.f32 v33, v32  }
0x95: {  	v59 =	vld [tilespmem:$0x20]  }
0x96: {  	v60 =	vld [tilespmem:$0x220];
	[tilespmem:$0x4800] =	vst v32  }
0x97: {  	v34 =	vld.idx.msk [tilespmem:v34+s13+$0x0], $0xffff  }
0x98: {  	v35 =	vld.idx.msk [tilespmem:v35+s15+$0x0], $0xffff;
	_ =	sdelay $0x1  }
0x99: {  	v33 =	vand.u32 $0xF, v59  }
0x9a: {  	v33 =	vor.u32 v2, v33;
	v32 =	vand.u32 $0xF, v60  }
0x9b: {  	v32 =	vor.u32 v2, v32  }
0x9c: {  	v34 =	vadd.f32 v35, v34  }
0x9d: {  	v61 =	vld [tilespmem:$0x30]  }
0x9e: {  	v62 =	vld [tilespmem:$0x230];
	[tilespmem:$0x4810] =	vst v34  }
0x9f: {  	v33 =	vld.idx.msk [tilespmem:v33+s13+$0x0], $0xffff  }
0xa0: {  	v32 =	vld.idx.msk [tilespmem:v32+s15+$0x0], $0xffff;
	_ =	sdelay $0x1  }
0xa1: {  	v35 =	vand.u32 $0xF, v61  }
0xa2: {  	v35 =	vor.u32 v3, v35;
	v34 =	vand.u32 $0xF, v62  }
0xa3: {  	v34 =	vor.u32 v3, v34  }
0xa4: {  	v32 =	vadd.f32 v32, v33  }
0xa5: {  	v63 =	vld [tilespmem:$0x40]  }
0xa6: {  	v36 =	vld [tilespmem:$0x240];
	[tilespmem:$0x4820] =	vst v32  }
0xa7: {  	v35 =	vld.idx.msk [tilespmem:v35+s13+$0x0], $0xffff  }
0xa8: {  	v34 =	vld.idx.msk [tilespmem:v34+s15+$0x0], $0xffff;
	_ =	sdelay $0x1  }
0xa9: {  	v33 =	vand.u32 $0xF, v63  }
0xaa: {  	v33 =	vor.u32 v4, v33;
	v32 =	vand.u32 $0xF, v36  }
0xab: {  	v32 =	vor.u32 v4, v32  }
0xac: {  	v34 =	vadd.f32 v34, v35  }
0xad: {  	v37 =	vld [tilespmem:$0x50]  }
0xae: {  	v38 =	vld [tilespmem:$0x250];
	[tilespmem:$0x4830] =	vst v34  }
0xaf: {  	v33 =	vld.idx.msk [tilespmem:v33+s13+$0x0], $0xffff  }
0xb0: {  	v32 =	vld.idx.msk [tilespmem:v32+s15+$0x0], $0xffff;
	_ =	sdelay $0x1  }
0xb1: {  	v35 =	vand.u32 $0xF, v37  }
0xb2: {  	v35 =	vor.u32 v5, v35;
	v34 =	vand.u32 $0xF, v38  }
0xb3: {  	v34 =	vor.u32 v5, v34  }
0xb4: {  	v32 =	vadd.f32 v32, v33  }
0xb5: {  	v39 =	vld [tilespmem:$0x60]  }
0xb6: {  	v40 =	vld [tilespmem:$0x260];
	[tilespmem:$0x4840] =	vst v32  }
0xb7: {  	v35 =	vld.idx.msk [tilespmem:v35+s13+$0x0], $0xffff  }
0xb8: {  	v34 =	vld.idx.msk [tilespmem:v34+s15+$0x0], $0xffff;
	_ =	sdelay $0x1  }
0xb9: {  	v33 =	vand.u32 $0xF, v39  }
0xba: {  	v33 =	vor.u32 v6, v33;
	v32 =	vand.u32 $0xF, v40  }
0xbb: {  	v32 =	vor.u32 v6, v32  }
0xbc: {  	v34 =	vadd.f32 v34, v35  }
0xbd: {  	v41 =	vld [tilespmem:$0x70]  }
0xbe: {  	v42 =	vld [tilespmem:$0x270];
	[tilespmem:$0x4850] =	vst v34  }
0xbf: {  	v33 =	vld.idx.msk [tilespmem:v33+s13+$0x0], $0xffff  }
0xc0: {  	v32 =	vld.idx.msk [tilespmem:v32+s15+$0x0], $0xffff;
	_ =	sdelay $0x1  }
0xc1: {  	v35 =	vand.u32 $0xF, v41  }
0xc2: {  	v35 =	vor.u32 v7, v35;
	v34 =	vand.u32 $0xF, v42  }
0xc3: {  	v34 =	vor.u32 v7, v34  }
0xc4: {  	v32 =	vadd.f32 v32, v33  }
0xc5: {  	v43 =	vld [tilespmem:$0x80]  }
0xc6: {  	v44 =	vld [tilespmem:$0x280];
	[tilespmem:$0x4860] =	vst v32  }
0xc7: {  	v35 =	vld.idx.msk [tilespmem:v35+s13+$0x0], $0xffff  }
0xc8: {  	v34 =	vld.idx.msk [tilespmem:v34+s15+$0x0], $0xffff;
	_ =	sdelay $0x1  }
0xc9: {  	v33 =	vand.u32 $0xF, v43  }
0xca: {  	v33 =	vor.u32 v8, v33;
	v32 =	vand.u32 $0xF, v44  }
0xcb: {  	v32 =	vor.u32 v8, v32  }
0xcc: {  	v34 =	vadd.f32 v34, v35  }
0xcd: {  	v45 =	vld [tilespmem:$0x90]  }
0xce: {  	v46 =	vld [tilespmem:$0x290];
	[tilespmem:$0x4870] =	vst v34  }
0xcf: {  	v33 =	vld.idx.msk [tilespmem:v33+s13+$0x0], $0xffff  }
0xd0: {  	v32 =	vld.idx.msk [tilespmem:v32+s15+$0x0], $0xffff;
	_ =	sdelay $0x1  }
0xd1: {  	v35 =	vand.u32 $0xF, v45  }
0xd2: {  	v35 =	vor.u32 v9, v35;
	v34 =	vand.u32 $0xF, v46  }
0xd3: {  	v34 =	vor.u32 v9, v34  }
0xd4: {  	v32 =	vadd.f32 v32, v33  }
0xd5: {  	v47 =	vld [tilespmem:$0xA0]  }
0xd6: {  	v48 =	vld [tilespmem:$0x2A0];
	[tilespmem:$0x4880] =	vst v32  }
0xd7: {  	v35 =	vld.idx.msk [tilespmem:v35+s13+$0x0], $0xffff  }
0xd8: {  	v34 =	vld.idx.msk [tilespmem:v34+s15+$0x0], $0xffff;
	_ =	sdelay $0x1  }
0xd9: {  	v33 =	vand.u32 $0xF, v47  }
0xda: {  	v33 =	vor.u32 v10, v33;
	v32 =	vand.u32 $0xF, v48  }
0xdb: {  	v32 =	vor.u32 v10, v32  }
0xdc: {  	v34 =	vadd.f32 v34, v35  }
0xdd: {  	v49 =	vld [tilespmem:$0xB0]  }
0xde: {  	v50 =	vld [tilespmem:$0x2B0];
	[tilespmem:$0x4890] =	vst v34  }
0xdf: {  	v33 =	vld.idx.msk [tilespmem:v33+s13+$0x0], $0xffff  }
0xe0: {  	v32 =	vld.idx.msk [tilespmem:v32+s15+$0x0], $0xffff;
	_ =	sdelay $0x1  }
0xe1: {  	v35 =	vand.u32 $0xF, v49  }
0xe2: {  	v35 =	vor.u32 v11, v35;
	v34 =	vand.u32 $0xF, v50  }
0xe3: {  	v34 =	vor.u32 v11, v34  }
0xe4: {  	v32 =	vadd.f32 v32, v33  }
0xe5: {  	v51 =	vld [tilespmem:$0xC0]  }
0xe6: {  	v52 =	vld [tilespmem:$0x2C0];
	[tilespmem:$0x48A0] =	vst v32  }
0xe7: {  	v35 =	vld.idx.msk [tilespmem:v35+s13+$0x0], $0xffff  }
0xe8: {  	v34 =	vld.idx.msk [tilespmem:v34+s15+$0x0], $0xffff;
	_ =	sdelay $0x1  }
0xe9: {  	v33 =	vand.u32 $0xF, v51  }
0xea: {  	v33 =	vor.u32 v12, v33;
	v32 =	vand.u32 $0xF, v52  }
0xeb: {  	v32 =	vor.u32 v12, v32  }
0xec: {  	v34 =	vadd.f32 v34, v35  }
0xed: {  	v53 =	vld [tilespmem:$0xD0]  }
0xee: {  	v54 =	vld [tilespmem:$0x2D0];
	[tilespmem:$0x48B0] =	vst v34  }
0xef: {  	v33 =	vld.idx.msk [tilespmem:v33+s13+$0x0], $0xffff  }
0xf0: {  	v32 =	vld.idx.msk [tilespmem:v32+s15+$0x0], $0xffff;
	_ =	sdelay $0x1  }
0xf1: {  	v35 =	vand.u32 $0xF, v53  }
0xf2: {  	v35 =	vor.u32 v13, v35;
	v34 =	vand.u32 $0xF, v54  }
0xf3: {  	v34 =	vor.u32 v13, v34  }
0xf4: {  	v32 =	vadd.f32 v32, v33  }
0xf5: {  	v55 =	vld [tilespmem:$0xE0]  }
0xf6: {  	v56 =	vld [tilespmem:$0x2E0];
	[tilespmem:$0x48C0] =	vst v32  }
0xf7: {  	v35 =	vld.idx.msk [tilespmem:v35+s13+$0x0], $0xffff  }
0xf8: {  	v34 =	vld.idx.msk [tilespmem:v34+s15+$0x0], $0xffff;
	_ =	sdelay $0x1  }
0xf9: {  	v33 =	vand.u32 $0xF, v55  }
0xfa: {  	v33 =	vor.u32 v14, v33;
	v32 =	vand.u32 $0xF, v56  }
0xfb: {  	v32 =	vor.u32 v14, v32  }
0xfc: {  	v34 =	vadd.f32 v34, v35  }
0xfd: {  	v57 =	vld [tilespmem:$0xF0]  }
0xfe: {  	v58 =	vld [tilespmem:$0x2F0];
	[tilespmem:$0x48D0] =	vst v34  }
0xff: {  	v33 =	vld.idx.msk [tilespmem:v33+s13+$0x0], $0xffff  }
0x100: {  	v32 =	vld.idx.msk [tilespmem:v32+s15+$0x0], $0xffff;
	_ =	sdelay $0x1  }
0x101: {  	v35 =	vand.u32 $0xF, v57  }
0x102: {  	v35 =	vor.u32 v15, v35;
	v34 =	vand.u32 $0xF, v58  }
0x103: {  	v34 =	vor.u32 v15, v34  }
0x104: {  	v32 =	vadd.f32 v32, v33  }
0x105: {  	v59 =	vld [tilespmem:$0x100]  }
0x106: {  	v60 =	vld [tilespmem:$0x300];
	[tilespmem:$0x48E0] =	vst v32  }
0x107: {  	v35 =	vld.idx.msk [tilespmem:v35+s13+$0x0], $0xffff  }
0x108: {  	v34 =	vld.idx.msk [tilespmem:v34+s15+$0x0], $0xffff;
	_ =	sdelay $0x1  }
0x109: {  	v33 =	vand.u32 $0xF, v59  }
0x10a: {  	v33 =	vor.u32 v16, v33;
	v32 =	vand.u32 $0xF, v60  }
0x10b: {  	v32 =	vor.u32 v16, v32  }
0x10c: {  	v34 =	vadd.f32 v34, v35  }
0x10d: {  	v61 =	vld [tilespmem:$0x110]  }
0x10e: {  	v62 =	vld [tilespmem:$0x310];
	[tilespmem:$0x48F0] =	vst v34  }
0x10f: {  	v33 =	vld.idx.msk [tilespmem:v33+s13+$0x0], $0xffff  }
0x110: {  	v32 =	vld.idx.msk [tilespmem:v32+s15+$0x0], $0xffff;
	_ =	sdelay $0x1  }
0x111: {  	v35 =	vand.u32 $0xF, v61  }
0x112: {  	v35 =	vor.u32 v17, v35;
	v34 =	vand.u32 $0xF, v62  }
0x113: {  	v34 =	vor.u32 v17, v34  }
0x114: {  	v32 =	vadd.f32 v32, v33  }
0x115: {  	v63 =	vld [tilespmem:$0x120]  }
0x116: {  	v36 =	vld [tilespmem:$0x320];
	[tilespmem:$0x4900] =	vst v32  }
0x117: {  	v35 =	vld.idx.msk [tilespmem:v35+s13+$0x0], $0xffff  }
0x118: {  	v34 =	vld.idx.msk [tilespmem:v34+s15+$0x0], $0xffff;
	_ =	sdelay $0x1  }
0x119: {  	v33 =	vand.u32 $0xF, v63  }
0x11a: {  	v33 =	vor.u32 v18, v33;
	v32 =	vand.u32 $0xF, v36  }
0x11b: {  	v32 =	vor.u32 v18, v32  }
0x11c: {  	v34 =	vadd.f32 v34, v35  }
0x11d: {  	v37 =	vld [tilespmem:$0x130]  }
0x11e: {  	v38 =	vld [tilespmem:$0x330];
	[tilespmem:$0x4910] =	vst v34  }
0x11f: {  	v33 =	vld.idx.msk [tilespmem:v33+s13+$0x0], $0xffff  }
0x120: {  	v32 =	vld.idx.msk [tilespmem:v32+s15+$0x0], $0xffff;
	_ =	sdelay $0x1  }
0x121: {  	v35 =	vand.u32 $0xF, v37  }
0x122: {  	v35 =	vor.u32 v19, v35;
	v34 =	vand.u32 $0xF, v38  }
0x123: {  	v34 =	vor.u32 v19, v34  }
0x124: {  	v32 =	vadd.f32 v32, v33  }
0x125: {  	v39 =	vld [tilespmem:$0x140]  }
0x126: {  	v40 =	vld [tilespmem:$0x340];
	[tilespmem:$0x4920] =	vst v32  }
0x127: {  	v35 =	vld.idx.msk [tilespmem:v35+s13+$0x0], $0xffff  }
0x128: {  	v34 =	vld.idx.msk [tilespmem:v34+s15+$0x0], $0xffff;
	_ =	sdelay $0x1  }
0x129: {  	v33 =	vand.u32 $0xF, v39  }
0x12a: {  	v33 =	vor.u32 v20, v33;
	v32 =	vand.u32 $0xF, v40  }
0x12b: {  	v32 =	vor.u32 v20, v32  }
0x12c: {  	v34 =	vadd.f32 v34, v35  }
0x12d: {  	v41 =	vld [tilespmem:$0x150]  }
0x12e: {  	v42 =	vld [tilespmem:$0x350];
	[tilespmem:$0x4930] =	vst v34  }
0x12f: {  	v33 =	vld.idx.msk [tilespmem:v33+s13+$0x0], $0xffff  }
0x130: {  	v32 =	vld.idx.msk [tilespmem:v32+s15+$0x0], $0xffff;
	_ =	sdelay $0x1  }
0x131: {  	v35 =	vand.u32 $0xF, v41  }
0x132: {  	v35 =	vor.u32 v21, v35;
	v34 =	vand.u32 $0xF, v42  }
0x133: {  	v34 =	vor.u32 v21, v34  }
0x134: {  	v32 =	vadd.f32 v32, v33  }
0x135: {  	v43 =	vld [tilespmem:$0x160]  }
0x136: {  	v44 =	vld [tilespmem:$0x360];
	[tilespmem:$0x4940] =	vst v32  }
0x137: {  	v35 =	vld.idx.msk [tilespmem:v35+s13+$0x0], $0xffff  }
0x138: {  	v34 =	vld.idx.msk [tilespmem:v34+s15+$0x0], $0xffff;
	_ =	sdelay $0x1  }
0x139: {  	v33 =	vand.u32 $0xF, v43  }
0x13a: {  	v33 =	vor.u32 v22, v33;
	v32 =	vand.u32 $0xF, v44  }
0x13b: {  	v32 =	vor.u32 v22, v32  }
0x13c: {  	v34 =	vadd.f32 v34, v35  }
0x13d: {  	v45 =	vld [tilespmem:$0x170]  }
0x13e: {  	v46 =	vld [tilespmem:$0x370];
	[tilespmem:$0x4950] =	vst v34  }
0x13f: {  	v33 =	vld.idx.msk [tilespmem:v33+s13+$0x0], $0xffff  }
0x140: {  	v32 =	vld.idx.msk [tilespmem:v32+s15+$0x0], $0xffff;
	_ =	sdelay $0x1  }
0x141: {  	v35 =	vand.u32 $0xF, v45  }
0x142: {  	v35 =	vor.u32 v23, v35;
	v34 =	vand.u32 $0xF, v46  }
0x143: {  	v34 =	vor.u32 v23, v34  }
0x144: {  	v32 =	vadd.f32 v32, v33  }
0x145: {  	v47 =	vld [tilespmem:$0x180]  }
0x146: {  	v48 =	vld [tilespmem:$0x380];
	[tilespmem:$0x4960] =	vst v32  }
0x147: {  	v35 =	vld.idx.msk [tilespmem:v35+s13+$0x0], $0xffff  }
0x148: {  	v34 =	vld.idx.msk [tilespmem:v34+s15+$0x0], $0xffff;
	_ =	sdelay $0x1  }
0x149: {  	v33 =	vand.u32 $0xF, v47  }
0x14a: {  	v33 =	vor.u32 v24, v33;
	v32 =	vand.u32 $0xF, v48  }
0x14b: {  	v32 =	vor.u32 v24, v32  }
0x14c: {  	v34 =	vadd.f32 v34, v35  }
0x14d: {  	v49 =	vld [tilespmem:$0x190]  }
0x14e: {  	v50 =	vld [tilespmem:$0x390];
	[tilespmem:$0x4970] =	vst v34  }
0x14f: {  	v33 =	vld.idx.msk [tilespmem:v33+s13+$0x0], $0xffff  }
0x150: {  	v32 =	vld.idx.msk [tilespmem:v32+s15+$0x0], $0xffff;
	_ =	sdelay $0x1  }
0x151: {  	v35 =	vand.u32 $0xF, v49  }
0x152: {  	v35 =	vor.u32 v25, v35;
	v34 =	vand.u32 $0xF, v50  }
0x153: {  	v34 =	vor.u32 v25, v34  }
0x154: {  	v32 =	vadd.f32 v32, v33  }
0x155: {  	v51 =	vld [tilespmem:$0x1A0]  }
0x156: {  	v52 =	vld [tilespmem:$0x3A0];
	[tilespmem:$0x4980] =	vst v32  }
0x157: {  	v35 =	vld.idx.msk [tilespmem:v35+s13+$0x0], $0xffff  }
0x158: {  	v34 =	vld.idx.msk [tilespmem:v34+s15+$0x0], $0xffff;
	_ =	sdelay $0x1  }
0x159: {  	v33 =	vand.u32 $0xF, v51  }
0x15a: {  	v33 =	vor.u32 v26, v33;
	v32 =	vand.u32 $0xF, v52  }
0x15b: {  	v32 =	vor.u32 v26, v32  }
0x15c: {  	v34 =	vadd.f32 v34, v35  }
0x15d: {  	v53 =	vld [tilespmem:$0x1B0]  }
0x15e: {  	v54 =	vld [tilespmem:$0x3B0];
	[tilespmem:$0x4990] =	vst v34  }
0x15f: {  	v33 =	vld.idx.msk [tilespmem:v33+s13+$0x0], $0xffff  }
0x160: {  	v32 =	vld.idx.msk [tilespmem:v32+s15+$0x0], $0xffff;
	_ =	sdelay $0x1  }
0x161: {  	v35 =	vand.u32 $0xF, v53  }
0x162: {  	v35 =	vor.u32 v27, v35;
	v34 =	vand.u32 $0xF, v54  }
0x163: {  	v34 =	vor.u32 v27, v34  }
0x164: {  	v32 =	vadd.f32 v32, v33  }
0x165: {  	v55 =	vld [tilespmem:$0x1C0]  }
0x166: {  	v56 =	vld [tilespmem:$0x3C0];
	[tilespmem:$0x49A0] =	vst v32  }
0x167: {  	v35 =	vld.idx.msk [tilespmem:v35+s13+$0x0], $0xffff  }
0x168: {  	v34 =	vld.idx.msk [tilespmem:v34+s15+$0x0], $0xffff;
	_ =	sdelay $0x1  }
0x169: {  	v33 =	vand.u32 $0xF, v55  }
0x16a: {  	v33 =	vor.u32 v28, v33;
	v32 =	vand.u32 $0xF, v56  }
0x16b: {  	v32 =	vor.u32 v28, v32  }
0x16c: {  	v34 =	vadd.f32 v34, v35  }
0x16d: {  	v57 =	vld [tilespmem:$0x1D0]  }
0x16e: {  	v58 =	vld [tilespmem:$0x3D0];
	[tilespmem:$0x49B0] =	vst v34  }
0x16f: {  	v33 =	vld.idx.msk [tilespmem:v33+s13+$0x0], $0xffff  }
0x170: {  	v32 =	vld.idx.msk [tilespmem:v32+s15+$0x0], $0xffff;
	_ =	sdelay $0x1  }
0x171: {  	v35 =	vand.u32 $0xF, v57  }
0x172: {  	v35 =	vor.u32 v29, v35;
	v34 =	vand.u32 $0xF, v58  }
0x173: {  	v34 =	vor.u32 v29, v34  }
0x174: {  	v32 =	vadd.f32 v32, v33  }
0x175: {  	v59 =	vld [tilespmem:$0x1E0]  }
0x176: {  	v60 =	vld [tilespmem:$0x3E0];
	[tilespmem:$0x49C0] =	vst v32  }
0x177: {  	v35 =	vld.idx.msk [tilespmem:v35+s13+$0x0], $0xffff  }
0x178: {  	v34 =	vld.idx.msk [tilespmem:v34+s15+$0x0], $0xffff;
	_ =	sdelay $0x1  }
0x179: {  	v33 =	vand.u32 $0xF, v59  }
0x17a: {  	v33 =	vor.u32 v30, v33;
	v32 =	vand.u32 $0xF, v60  }
0x17b: {  	v32 =	vor.u32 v30, v32  }
0x17c: {  	v34 =	vadd.f32 v34, v35  }
0x17d: {  	v61 =	vld [tilespmem:$0x1F0]  }
0x17e: {  	v62 =	vld [tilespmem:$0x3F0];
	[tilespmem:$0x49D0] =	vst v34  }
0x17f: {  	v33 =	vld.idx.msk [tilespmem:v33+s13+$0x0], $0xffff  }
0x180: {  	v32 =	vld.idx.msk [tilespmem:v32+s15+$0x0], $0xffff;
	_ =	sdelay $0x1  }
0x181: {  	v35 =	vand.u32 $0xF, v61  }
0x182: {  	v35 =	vor.u32 v31, v35;
	v34 =	vand.u32 $0xF, v62  }
0x183: {  	v34 =	vor.u32 v31, v34  }
0x184: {  	v32 =	vadd.f32 v32, v33;
	_ =	sdelay $0x1  }
0x185: {  	[tilespmem:$0x49E0] =	vst v32  }
0x186: {  	v32 =	vld.idx.msk [tilespmem:v35+s13+$0x0], $0xffff  }
0x187: {  	v63 =	vld.idx.msk [tilespmem:v34+s15+$0x0], $0xffff;
	_ =	sdelay $0x4  }
0x188: {  	v32 =	vadd.f32 v63, v32  }
0x189: {  	p0 =	sne.s32 s8, $0x1  }
.Ltmp0:
0x18a: {  	[tilespmem:$0x49F0] =	vst v32;
	(pc) =	sbr.rel @p0 .LBB2_1-.Ltmp0, $4  }
0x18b: {  	[hbm4b:s7+s1] =	stream.linear.scatter [tilespmem:s30], [sflag:$0x2], $0x200, $0x38;
	[tilespmem:$0x4A00] =	vst v63  }
0x18c: {  	_ =	swait.ge [sflag:s9], $0x200  }
0x18d: {  	[sflag:s9] =	ssyncset.done $0x0  }
0x18e: {  	s8 =	sadd.s32 $0xFFFFFFFF, s8;
	[sflag:s9] =	ssyncadd.s32 $0xFFFFFE00  }
0x18f: {  	_ =	sfence.sel $0x180000  }
0x190: {  	[bflag:$0x0] =	sbarrier.arrive $0xFFFF  }
0x191: {  	p0 =	sne.s32 s2, $0x0;
	_ =	strace $0x90000047  }
0x192: {  	s0 =	sadd.s32 @!p0 $0x100000, s0;
	[bflag:$0x2] =	sbarrier.arrive $0xFFFF  }
0x193: {  	[sflag:s0] =	ssyncadd.tile.s32 @!p0 $0x1;
	_ =	shalt  }
.Lfunc_end2:
_tile_overlayer_lowered:
.L_overlay_start_2:
0x194: {  	(tag) =	ssettag $0x2  }
0x195: {  	s0 =	rddreg [dreg:$0x0];
	s2 =	stileid.u32  }
0x196: {  	s1 =	rddreg [dreg:$0x1];
	p0 =	sne.s32 s2, $0x0  }
0x197: {  	s3 =	rddreg [dreg:$0x2];
	[bflag:$0x3] =	sbarrier.arrive $0xFFFF;
	s2 =	simm.s32 @!p0 $0x1C02  }
0x198: {  	[timem:s3], [sflag:s2] =	dma.local @!p0 [hbm:s0], s1  }
0x199: {  	s0 =	simm.s32 @!p0 $0x2  }
0x19a: {  	_ =	swait.ge @!p0 [sflag:s0], s1  }
0x19b: {  	s1 =	ssub.s32 @!p0 $0x0, s1;
	[sflag:s0] =	ssyncset.done @!p0 $0x0  }
0x19c: {  	[sflag:s0] =	ssyncadd.s32 @!p0 s1  }
0x19d: {  	[bflag:$0x3] =	sbarrier.arrive $0xFFFF  }
0x19e: {  	_ =	shalt  }

</sc_bundles>
